<compile_context>
chip_gen: v7x
topology: tpu7x:2x2x1
jax: 0.10.2.dev20260603
libtpu: 0.0.44.dev20260713+nightly
codegen_flags: <defaults>
</compile_context>

<pallas_src>
import functools

import jax
import jax.numpy as jnp
from jax import lax
from jax.experimental import pallas as pl
from jax.experimental.pallas import tpu as pltpu
from jax.experimental.pallas import tpu_sc as plsc

ATOM_DIM = 32
BOND_DIM = 16
N_NODES = 10000
N_EDGES = 100000

NW = 32
CHUNK = 128
E_PER_W = 3200
E_PAD = NW * E_PER_W
N_CHUNKS = E_PER_W // CHUNK
N_PAD = 10240
ROWS_PER_TILE = N_PAD // 16


def _permute_idx(idx_lin, idx_p, permute_values=False):
    q = E_PER_W // 4

    def body(m, carry):
        k = m * 16 + lax.iota(jnp.int32, 16)
        off = (k >> 2) + (k & 3) * q
        v = plsc.load_gather(idx_lin, [off])
        if permute_values:
            loc = v & 2047
            v = (v & ~jnp.int32(2047)) | ((loc & 511) << 2) | (loc >> 9)
        idx_p[m // 8, pl.ds((m % 8) * 16, 16)] = v
        return carry

    lax.fori_loop(0, E_PER_W // 16, body, 0)


def _gather_body(table_hbm, idx_hbm, out_hbm, idx_lin, idx_p, rows_v,
                 sems, wsem):
    cid = lax.axis_index("c")
    sid = lax.axis_index("s")
    wid = sid * 2 + cid
    base = wid * E_PER_W
    pltpu.sync_copy(idx_hbm.at[pl.ds(base, E_PER_W)], idx_lin)
    _permute_idx(idx_lin, idx_p)
    ngrp = 5
    per = N_CHUNKS // ngrp
    copies = [
        pltpu.async_copy(table_hbm.at[idx_p.at[j]],
                         rows_v.at[pl.ds(j * CHUNK, CHUNK)], sems[j // per])
        for j in range(N_CHUNKS)
    ]
    wb = []
    for g in range(ngrp):
        for c in copies[g * per:(g + 1) * per]:
            c.wait()
        off = g * per * CHUNK
        wb.append(pltpu.async_copy(
            rows_v.at[pl.ds(off, per * CHUNK)],
            out_hbm.at[pl.ds(base + off, per * CHUNK)], wsem))
    for c in wb:
        c.wait()


def _sc_gather(atom_features, src_idx):
    k = functools.partial(
        pl.kernel,
        out_type=jax.ShapeDtypeStruct((E_PAD, ATOM_DIM), jnp.float32),
        mesh=plsc.VectorSubcoreMesh(core_axis_name="c", subcore_axis_name="s"),
        scratch_types=[
            pltpu.VMEM((E_PER_W,), jnp.int32),
            pltpu.VMEM((N_CHUNKS, CHUNK), jnp.int32),
            pltpu.VMEM((E_PER_W, ATOM_DIM), jnp.float32),
            [pltpu.SemaphoreType.DMA] * 5,
            pltpu.SemaphoreType.DMA,
        ],
        compiler_params=pltpu.CompilerParams(use_tc_tiling_on_sc=False, needs_layout_passes=False),
    )(_gather_body)
    return k(atom_features, src_idx)


def _scatter_body(msg_hbm, idx_hbm, zeros_hbm, out_hbm,
                  msg_v, idx_lin, idx_p, acc_shared):
    cid = lax.axis_index("c")
    sid = lax.axis_index("s")
    wid = sid * 2 + cid
    base = wid * E_PER_W
    row0 = sid * ROWS_PER_TILE
    pltpu.sync_copy(idx_hbm.at[pl.ds(base, E_PER_W)], idx_lin)
    pltpu.sync_copy(msg_hbm.at[pl.ds(base, E_PER_W)], msg_v)
    _permute_idx(idx_lin, idx_p, permute_values=True)
    pltpu.sync_copy(zeros_hbm.at[pl.ds(row0, ROWS_PER_TILE)],
                    acc_shared.at[pl.ds(row0, ROWS_PER_TILE)])
    plsc.subcore_barrier()

    def step(j, carry):
        off = j * CHUNK
        pltpu.sync_copy(msg_v.at[pl.ds(off, CHUNK)],
                        acc_shared.at[idx_p.at[j]], add=True)
        return carry

    lax.fori_loop(0, N_CHUNKS, step, 0)
    plsc.subcore_barrier()
    pltpu.sync_copy(acc_shared.at[pl.ds(row0, ROWS_PER_TILE)],
                    out_hbm.at[pl.ds(cid * N_PAD + row0, ROWS_PER_TILE)])


def _sc_scatter(msg, dst_idx, zeros_init):
    k = functools.partial(
        pl.kernel,
        out_type=jax.ShapeDtypeStruct((2 * N_PAD, ATOM_DIM), jnp.float32),
        mesh=plsc.VectorSubcoreMesh(core_axis_name="c", subcore_axis_name="s"),
        scratch_types=[
            pltpu.VMEM((E_PER_W, ATOM_DIM), jnp.float32),
            pltpu.VMEM((E_PER_W,), jnp.int32),
            pltpu.VMEM((N_CHUNKS, CHUNK), jnp.int32),
            pltpu.VMEM_SHARED((N_PAD, ATOM_DIM), jnp.float32),
        ],
        compiler_params=pltpu.CompilerParams(use_tc_tiling_on_sc=False, needs_layout_passes=False),
    )(_scatter_body)
    return k(msg, dst_idx, zeros_init)


def _matmul_body(x_ref, bm_ref, btl_ref, r_ref, s_ref, w4_ref, bt_ref,
                 out_ref):
    z = x_ref[...]
    x = jnp.concatenate([z[:, 32 * c:32 * c + 32] for c in range(4)],
                        axis=0)
    i = pl.program_id(0)
    tile = z.shape[0] * 4
    nfull = N_EDGES // tile
    b = jnp.where(i < nfull, bm_ref[...], btl_ref[...])
    ob = lax.dot_general(b, r_ref[...], (((0,), (0,)), ((), ())),
                         preferred_element_type=jnp.float32)
    o = ob * pltpu.repeat(x, BOND_DIM, axis=1)
    msg = (jnp.dot(o, w4_ref[...], preferred_element_type=jnp.float32)
           + jnp.dot(x, bt_ref[...], preferred_element_type=jnp.float32))
    q = msg.shape[0] // 4
    out_ref[...] = jnp.concatenate(
        [msg[q * c:q * c + q, :] for c in range(4)], axis=1)


def _tc_matmul(xg_packed, bond_t, bond_tail_t, rsel, ssel, w4, bias_t):
    tile = E_PER_W
    grid = (E_PAD // tile,)
    nfull = N_EDGES // tile
    return pl.pallas_call(
        _matmul_body,
        grid=grid,
        in_specs=[
            pl.BlockSpec((tile // 4, 128), lambda i: (i, 0)),
            pl.BlockSpec((BOND_DIM, tile),
                         lambda i: (0, jnp.minimum(i, nfull - 1))),
            pl.BlockSpec((BOND_DIM, tile), lambda i: (0, 0)),
            pl.BlockSpec((BOND_DIM, 512), lambda i: (0, 0)),
            pl.BlockSpec((ATOM_DIM, 512), lambda i: (0, 0)),
            pl.BlockSpec((512, ATOM_DIM), lambda i: (0, 0)),
            pl.BlockSpec((ATOM_DIM, ATOM_DIM), lambda i: (0, 0)),
        ],
        out_specs=pl.BlockSpec((tile // 4, 128), lambda i: (i, 0)),
        out_shape=jax.ShapeDtypeStruct((E_PAD // 4, 128), jnp.float32),
    )(xg_packed, bond_t, bond_tail_t, rsel, ssel, w4, bias_t)


def _combine_body(p_ref, out_ref):
    s = p_ref[0] + p_ref[1]
    out_ref[...] = jnp.concatenate(
        [s[:, 32 * c:32 * c + 32] for c in range(4)], axis=0)


def _tc_combine(partials_packed):
    return pl.pallas_call(
        _combine_body,
        grid=(N_PAD // 2048,),
        in_specs=[pl.BlockSpec((2, 512, 128), lambda i: (0, i, 0))],
        out_specs=pl.BlockSpec((2048, ATOM_DIM), lambda i: (i, 0)),
        out_shape=jax.ShapeDtypeStruct((N_NODES, ATOM_DIM), jnp.float32),
    )(partials_packed)


def kernel(atom_features, bond_features, pair_indices, kernel, bias):
    weight = kernel
    src = pair_indices[:, 1].astype(jnp.int32)
    dst = pair_indices[:, 0].astype(jnp.int32)
    src_pad = jnp.concatenate(
        [src, jnp.zeros((E_PAD - N_EDGES,), jnp.int32)])
    dst_pad = jnp.concatenate(
        [dst, jnp.full((E_PAD - N_EDGES,), N_NODES, jnp.int32)])
    tile = E_PER_W
    nfull = N_EDGES // tile
    bond_t = bond_features.T
    bond_tail_t = jnp.pad(bond_t[:, nfull * tile:],
                          ((0, 0), (0, (nfull + 1) * tile - N_EDGES)))
    rsel = jnp.kron(jnp.eye(BOND_DIM, dtype=jnp.float32),
                    jnp.ones((1, ATOM_DIM), jnp.float32))
    ssel = jnp.kron(jnp.ones((1, BOND_DIM), jnp.float32),
                    jnp.eye(ATOM_DIM, dtype=jnp.float32))
    w3 = weight.reshape(BOND_DIM, ATOM_DIM, ATOM_DIM)
    w4 = jnp.transpose(w3, (0, 2, 1)).reshape(BOND_DIM * ATOM_DIM, ATOM_DIM)
    bias_t = bias.reshape(ATOM_DIM, ATOM_DIM).T

    xg = _sc_gather(atom_features, src_pad)
    msg = _tc_matmul(xg.reshape(E_PAD // 4, 128), bond_t, bond_tail_t,
                     rsel, ssel, w4, bias_t)
    msg = msg.reshape(E_PAD, ATOM_DIM)
    zeros_init = jnp.zeros((N_PAD, ATOM_DIM), jnp.float32)
    partials = _sc_scatter(msg, dst_pad, zeros_init)
    return _tc_combine(partials.reshape(2, N_PAD // 4, 128))

# --- scband reference (transcript-rebuilt; emitter-appended) ---
"""Pipeline reference for scband-edge-network-4690104287616 (READ-ONLY COPY).

The authoritative reference and input builder live on the scoring server;
editing this copy changes nothing except your own understanding.
"""

import jax, jax.numpy as jnp
import numpy as np

ATOM_DIM = 32
BOND_DIM = 16
N_NODES = 10000
N_EDGES = 100000


def setup_inputs(seed: int = 0) -> dict:
    key = jax.random.key(seed)
    k1, k2, k3, k4 = jax.random.split(key, 4)
    atom_features = jax.random.normal(k1, (N_NODES, ATOM_DIM), dtype=jnp.float32)
    bond_features = jax.random.normal(k2, (N_EDGES, BOND_DIM), dtype=jnp.float32)
    pair_indices = jax.random.randint(k3, (N_EDGES, 2), 0, N_NODES, dtype=jnp.int64 if jax.config.read('jax_enable_x64') else jnp.int32)
    # glorot_uniform init for kernel (bond_dim, atom_dim*atom_dim)
    fan_in = BOND_DIM
    fan_out = ATOM_DIM * ATOM_DIM
    limit = np.sqrt(6.0 / (fan_in + fan_out))
    kernel = jax.random.uniform(k4, (BOND_DIM, ATOM_DIM * ATOM_DIM), minval=-limit, maxval=limit, dtype=jnp.float32)
    bias = jnp.zeros((ATOM_DIM * ATOM_DIM,), dtype=jnp.float32)
    return {
        'atom_features': atom_features,
        'bond_features': bond_features,
        'pair_indices': pair_indices,
        'kernel': kernel,
        'bias': bias,
    }


def reference(atom_features, bond_features, pair_indices, kernel, bias):
    atom_dim = atom_features.shape[-1]
    n_atoms = atom_features.shape[0]
    # Linear transform of bond features into per-edge (atom_dim x atom_dim) matrices
    bf = jnp.matmul(bond_features, kernel) + bias
    bf = jnp.reshape(bf, (-1, atom_dim, atom_dim))
    # Gather neighbor atom features (tf.gather / take along axis 0)
    atom_features_neighbors = jnp.take(atom_features, pair_indices[:, 1], axis=0)
    atom_features_neighbors = jnp.expand_dims(atom_features_neighbors, axis=-1)
    # Per-edge matrix-vector product
    transformed_features = jnp.matmul(bf, atom_features_neighbors)
    transformed_features = jnp.squeeze(transformed_features, axis=-1)
    # Aggregate messages into destination (first index column) atoms
    aggregated_features = jax.ops.segment_sum(
        transformed_features, pair_indices[:, 0], num_segments=n_atoms
    )
    return aggregated_features

if __name__ == "__main__":
    import jax
    _d = setup_inputs()
    print(jax.jit(kernel)(*tuple(_d.values())))

</pallas_src>

<mosaic_0001>
#map = affine_map<(d0, d1) -> (0, 0)>
#map1 = affine_map<(d0, d1) -> (0)>
module attributes {stable_mosaic.version = 14 : i64} {
  func.func @_scatter_body(%arg0: i32, %arg1: i32, %arg2: memref<102400x32xf32, #tpu.memory_space<hbm>>, %arg3: memref<102400xi32, #tpu.memory_space<hbm>>, %arg4: memref<10240x32xf32, #tpu.memory_space<hbm>>, %arg5: memref<20480x32xf32, #tpu.memory_space<hbm>>, %arg6: memref<3200x32xf32, #tpu.memory_space<vmem>>, %arg7: memref<3200xi32, #tpu.memory_space<vmem>>, %arg8: memref<25x128xi32, #tpu.memory_space<vmem>>, %arg9: memref<10240x32xf32, #tpu.memory_space<vmem_shared>>) attributes {dimension_semantics = [#tpu.dimension_semantics<core_parallel>, #tpu.dimension_semantics<subcore_parallel>], iteration_bounds = array<i64: 2, 16>, scalar_prefetch = 0 : i64, scratch_operands = 4 : i64, tpu.core_type = #tpu.core_type<sc_vector_subcore>, window_params = [{transform_indices = #map}, {transform_indices = #map1}, {transform_indices = #map}, {transform_indices = #map}]} {
    %mul3A = arith.constant 2 : i32
    %mul3A_0 = arith.muli %arg1, %mul3A : i32
    %add3A = arith.addi %mul3A_0, %arg0 : i32
    %mul3A_1 = arith.constant 3200 : i32
    %mul3A_2 = arith.muli %add3A, %mul3A_1 : i32
    %mul3A_3 = arith.constant 640 : i32
    %mul3A_4 = arith.muli %arg1, %mul3A_3 : i32
    "tpu.region"() ({
      %run_scoped3A = tpu.sem_alloc : memref<!tpu.dma_semaphore, #tpu.memory_space<semaphore_mem>>
      %dma_start3A = tpu.memref_slice %arg3[%mul3A_2] : memref<102400xi32, #tpu.memory_space<hbm>> -> memref<3200xi32, #tpu.memory_space<hbm>>
      %dma_start3A_20 = tpu.memref_slice %arg3[%mul3A_2] : memref<102400xi32, #tpu.memory_space<hbm>> -> memref<3200xi32, #tpu.memory_space<hbm>>
      tpu.enqueue_dma source(%dma_start3A_20 : memref<3200xi32, #tpu.memory_space<hbm>>) target(%arg7 : memref<3200xi32, #tpu.memory_space<vmem>>) target_semaphore(%run_scoped3A : memref<!tpu.dma_semaphore, #tpu.memory_space<semaphore_mem>>)
      %dma_wait3A = tpu.memref_slice %arg3[%mul3A_2] : memref<102400xi32, #tpu.memory_space<hbm>> -> memref<3200xi32, #tpu.memory_space<hbm>>
      %dma_wait3A_21 = tpu.memref_slice %arg3[%mul3A_2] : memref<102400xi32, #tpu.memory_space<hbm>> -> memref<3200xi32, #tpu.memory_space<hbm>>
      tpu.wait_dma2 semaphore(%run_scoped3A : memref<!tpu.dma_semaphore, #tpu.memory_space<semaphore_mem>>) src(%dma_wait3A_21 : memref<3200xi32, #tpu.memory_space<hbm>>) dst(%arg7 : memref<3200xi32, #tpu.memory_space<vmem>>)
      tpu.yield
    }) : () -> ()
    "tpu.region"() ({
      %run_scoped3A = tpu.sem_alloc : memref<!tpu.dma_semaphore, #tpu.memory_space<semaphore_mem>>
      %dma_start3A = arith.constant 0 : i32
      %dma_start3A_20 = tpu.memref_slice %arg2[%mul3A_2, %dma_start3A] : memref<102400x32xf32, #tpu.memory_space<hbm>> -> memref<3200x32xf32, #tpu.memory_space<hbm>>
      %dma_start3A_21 = arith.constant 0 : i32
      %dma_start3A_22 = tpu.memref_slice %arg2[%mul3A_2, %dma_start3A_21] : memref<102400x32xf32, #tpu.memory_space<hbm>> -> memref<3200x32xf32, #tpu.memory_space<hbm>>
      tpu.enqueue_dma source(%dma_start3A_22 : memref<3200x32xf32, #tpu.memory_space<hbm>>) target(%arg6 : memref<3200x32xf32, #tpu.memory_space<vmem>>) target_semaphore(%run_scoped3A : memref<!tpu.dma_semaphore, #tpu.memory_space<semaphore_mem>>)
      %dma_wait3A = arith.constant 0 : i32
      %dma_wait3A_23 = tpu.memref_slice %arg2[%mul3A_2, %dma_wait3A] : memref<102400x32xf32, #tpu.memory_space<hbm>> -> memref<3200x32xf32, #tpu.memory_space<hbm>>
      %dma_wait3A_24 = arith.constant 0 : i32
      %dma_wait3A_25 = tpu.memref_slice %arg2[%mul3A_2, %dma_wait3A_24] : memref<102400x32xf32, #tpu.memory_space<hbm>> -> memref<3200x32xf32, #tpu.memory_space<hbm>>
      tpu.wait_dma2 semaphore(%run_scoped3A : memref<!tpu.dma_semaphore, #tpu.memory_space<semaphore_mem>>) src(%dma_wait3A_25 : memref<3200x32xf32, #tpu.memory_space<hbm>>) dst(%arg6 : memref<3200x32xf32, #tpu.memory_space<vmem>>)
      tpu.yield
    }) : () -> ()
    %scan3A = arith.constant 0 : i32
    %scan3A_5 = arith.constant 0 : i32
    %scan3A_6 = arith.constant 200 : i32
    %scan3A_7 = arith.addi %scan3A_5, %scan3A_6 : i32
    %scan3A_8 = arith.constant 1 : i32
    scf.for %scan3A_20 = %scan3A_5 to %scan3A_7 step %scan3A_8  : i32 {
      %mul3A_21 = arith.constant 16 : i32
      %mul3A_22 = arith.muli %scan3A_20, %mul3A_21 : i32
      %iota3A = tpu.iota {dimensions = array<i32: 0>} : vector<16xi32>
      %add3A_23 = vector.broadcast %mul3A_22 : i32 to vector<16xi32>
      %add3A_24 = arith.addi %add3A_23, %iota3A : vector<16xi32>
      %shift_right_arithmetic3A = arith.constant 2 : i32
      %shift_right_arithmetic3A_25 = vector.broadcast %shift_right_arithmetic3A : i32 to vector<16xi32>
      %shift_right_arithmetic3A_26 = arith.shrsi %add3A_24, %shift_right_arithmetic3A_25 : vector<16xi32>
      %and3A = arith.constant 3 : i32
      %and3A_27 = vector.broadcast %and3A : i32 to vector<16xi32>
      %and3A_28 = arith.andi %add3A_24, %and3A_27 : vector<16xi32>
      %mul3A_29 = arith.constant 800 : i32
      %mul3A_30 = vector.broadcast %mul3A_29 : i32 to vector<16xi32>
      %mul3A_31 = arith.muli %and3A_28, %mul3A_30 : vector<16xi32>
      %add3A_32 = arith.addi %shift_right_arithmetic3A_26, %mul3A_31 : vector<16xi32>
      %gather3A = tpu.vector_load_idx %arg7[%add3A_32] : memref<3200xi32, #tpu.memory_space<vmem>>[vector<16xi32>], vector<16xi32>,
      %and3A_33 = arith.constant 2047 : i32
      %and3A_34 = vector.broadcast %and3A_33 : i32 to vector<16xi32>
      %and3A_35 = arith.andi %gather3A, %and3A_34 : vector<16xi32>
      %not3A = arith.constant 2047 : i32
      %not3A_36 = arith.constant -1 : i32
      %not3A_37 = arith.xori %not3A, %not3A_36 : i32
      %and3A_38 = vector.broadcast %not3A_37 : i32 to vector<16xi32>
      %and3A_39 = arith.andi %gather3A, %and3A_38 : vector<16xi32>
      %and3A_40 = arith.constant 511 : i32
      %and3A_41 = vector.broadcast %and3A_40 : i32 to vector<16xi32>
      %and3A_42 = arith.andi %and3A_35, %and3A_41 : vector<16xi32>
      %shift_left3A = arith.constant 2 : i32
      %shift_left3A_43 = vector.broadcast %shift_left3A : i32 to vector<16xi32>
      %shift_left3A_44 = arith.shli %and3A_42, %shift_left3A_43 : vector<16xi32>
      %or3A = arith.ori %and3A_39, %shift_left3A_44 : vector<16xi32>
      %shift_right_arithmetic3A_45 = arith.constant 9 : i32
      %shift_right_arithmetic3A_46 = vector.broadcast %shift_right_arithmetic3A_45 : i32 to vector<16xi32>
      %shift_right_arithmetic3A_47 = arith.shrsi %and3A_35, %shift_right_arithmetic3A_46 : vector<16xi32>
      %or3A_48 = arith.ori %or3A, %shift_right_arithmetic3A_47 : vector<16xi32>
      %jit3A = arith.constant 8 : i32
      %div3A = arith.divsi %scan3A_20, %jit3A : i32
      %sign3A = arith.constant 0 : i32
      %sign3A_49 = arith.cmpi sgt, %scan3A_20, %sign3A : i32
      %sign3A_50 = arith.extui %sign3A_49 : i1 to i32
      %sign3A_51 = arith.constant 0 : i32
      %sign3A_52 = arith.cmpi slt, %scan3A_20, %sign3A_51 : i32
      %sign3A_53 = arith.extui %sign3A_52 : i1 to i32
      %sign3A_54 = arith.subi %sign3A_50, %sign3A_53 : i32
      %sign3A_55 = arith.constant 0 : i32
      %sign3A_56 = arith.cmpi sgt, %jit3A, %sign3A_55 : i32
      %sign3A_57 = arith.extui %sign3A_56 : i1 to i32
      %sign3A_58 = arith.constant 0 : i32
      %sign3A_59 = arith.cmpi slt, %jit3A, %sign3A_58 : i32
      %sign3A_60 = arith.extui %sign3A_59 : i1 to i32
      %sign3A_61 = arith.subi %sign3A_57, %sign3A_60 : i32
      %ne3A = arith.cmpi ne, %sign3A_54, %sign3A_61 : i32
      %rem3A = arith.remsi %scan3A_20, %jit3A : i32
      %ne3A_62 = arith.constant 0 : i32
      %ne3A_63 = arith.cmpi ne, %rem3A, %ne3A_62 : i32
      %and3A_64 = arith.andi %ne3A, %ne3A_63 : i1
      %sub3A = arith.constant 1 : i32
      %sub3A_65 = arith.subi %div3A, %sub3A : i32
      %select_n3A = arith.select %and3A_64, %sub3A_65, %div3A : i32
      %jit3A_66 = arith.constant 8 : i32
      %eq3A = arith.constant 0 : i32
      %eq3A_67 = arith.cmpi eq, %jit3A_66, %eq3A : i32
      %jit3A_68 = arith.constant 1 : i32
      %select_n3A_69 = arith.select %eq3A_67, %jit3A_68, %jit3A_66 : i32
      %rem3A_70 = arith.remsi %scan3A_20, %select_n3A_69 : i32
      %ne3A_71 = arith.constant 0 : i32
      %ne3A_72 = arith.cmpi ne, %rem3A_70, %ne3A_71 : i32
      %lt3A = arith.constant 0 : i32
      %lt3A_73 = arith.cmpi slt, %rem3A_70, %lt3A : i32
      %lt3A_74 = arith.constant 0 : i32
      %lt3A_75 = arith.cmpi slt, %select_n3A_69, %lt3A_74 : i32
      %ne3A_76 = arith.xori %lt3A_73, %lt3A_75 : i1
      %and3A_77 = arith.andi %ne3A_76, %ne3A_72 : i1
      %add3A_78 = arith.addi %rem3A_70, %select_n3A_69 : i32
      %select_n3A_79 = arith.select %and3A_77, %add3A_78, %rem3A_70 : i32
      %mul3A_80 = arith.constant 16 : i32
      %mul3A_81 = arith.muli %select_n3A_79, %mul3A_80 : i32
      %swap3A = arith.index_cast %select_n3A : i32 to index
      %swap3A_82 = arith.index_cast %mul3A_81 : i32 to index
      %swap3A_83 = tpu.vector_load %arg8[%swap3A, %swap3A_82] {strides = array<i32>} : memref<25x128xi32, #tpu.memory_space<vmem>>, vector<16xi32>,
      tpu.vector_store %arg8[%swap3A, %swap3A_82], %or3A_48 {strides = array<i32>} : memref<25x128xi32, #tpu.memory_space<vmem>>, vector<16xi32>,
    }
    %scan3A_9 = arith.constant 200 : i32
    "tpu.region"() ({
      %run_scoped3A = tpu.sem_alloc : memref<!tpu.dma_semaphore, #tpu.memory_space<semaphore_mem>>
      %dma_start3A = arith.constant 0 : i32
      %dma_start3A_20 = tpu.memref_slice %arg9[%mul3A_4, %dma_start3A] : memref<10240x32xf32, #tpu.memory_space<vmem_shared>> -> memref<640x32xf32, #tpu.memory_space<vmem_shared>>
      %dma_start3A_21 = arith.constant 0 : i32
      %dma_start3A_22 = tpu.memref_slice %arg4[%mul3A_4, %dma_start3A_21] : memref<10240x32xf32, #tpu.memory_space<hbm>> -> memref<640x32xf32, #tpu.memory_space<hbm>>
      tpu.enqueue_dma source(%dma_start3A_22 : memref<640x32xf32, #tpu.memory_space<hbm>>) target(%dma_start3A_20 : memref<640x32xf32, #tpu.memory_space<vmem_shared>>) target_semaphore(%run_scoped3A : memref<!tpu.dma_semaphore, #tpu.memory_space<semaphore_mem>>)
      %dma_wait3A = arith.constant 0 : i32
      %dma_wait3A_23 = tpu.memref_slice %arg9[%mul3A_4, %dma_wait3A] : memref<10240x32xf32, #tpu.memory_space<vmem_shared>> -> memref<640x32xf32, #tpu.memory_space<vmem_shared>>
      %dma_wait3A_24 = arith.constant 0 : i32
      %dma_wait3A_25 = tpu.memref_slice %arg4[%mul3A_4, %dma_wait3A_24] : memref<10240x32xf32, #tpu.memory_space<hbm>> -> memref<640x32xf32, #tpu.memory_space<hbm>>
      tpu.wait_dma2 semaphore(%run_scoped3A : memref<!tpu.dma_semaphore, #tpu.memory_space<semaphore_mem>>) src(%dma_wait3A_25 : memref<640x32xf32, #tpu.memory_space<hbm>>) dst(%dma_wait3A_23 : memref<640x32xf32, #tpu.memory_space<vmem_shared>>)
      tpu.yield
    }) : () -> ()
    %barrier3A = arith.constant 0 : index
    tpu.barrier barrier_id(%barrier3A)
    %scan3A_10 = arith.constant 0 : i32
    %scan3A_11 = arith.constant 0 : i32
    %scan3A_12 = arith.constant 25 : i32
    %scan3A_13 = arith.addi %scan3A_11, %scan3A_12 : i32
    %scan3A_14 = arith.constant 1 : i32
    scf.for %scan3A_20 = %scan3A_11 to %scan3A_13 step %scan3A_14  : i32 {
      %mul3A_21 = arith.constant 128 : i32
      %mul3A_22 = arith.muli %scan3A_20, %mul3A_21 : i32
      "tpu.region"() ({
        %run_scoped3A = tpu.sem_alloc : memref<!tpu.dma_semaphore, #tpu.memory_space<semaphore_mem>>
        %dma_start3A = arith.constant 0 : i32
        %dma_start3A_23 = tpu.memref_slice %arg6[%mul3A_22, %dma_start3A] : memref<3200x32xf32, #tpu.memory_space<vmem>> -> memref<128x32xf32, #tpu.memory_space<vmem>>
        %dma_start3A_24 = arith.constant 0 : i32
        %dma_start3A_25 = tpu.memref_slice %arg8[%scan3A_20, %dma_start3A_24] : memref<25x128xi32, #tpu.memory_space<vmem>> -> memref<1x128xi32, #tpu.memory_space<vmem>>
        %dma_start3A_26 = tpu.memref_squeeze %dma_start3A_25 : memref<1x128xi32, #tpu.memory_space<vmem>> -> memref<128xi32, #tpu.memory_space<vmem>>
        %dma_start3A_27 = arith.constant 0 : i32
        %dma_start3A_28 = arith.constant 0 : i32
        %dma_start3A_29 = tpu.memref_slice %arg9[%dma_start3A_27, %dma_start3A_28] : memref<10240x32xf32, #tpu.memory_space<vmem_shared>> -> memref<10240x32xf32, #tpu.memory_space<vmem_shared>>
        tpu.enqueue_indirect_dma source(%dma_start3A_23 : memref<128x32xf32, #tpu.memory_space<vmem>>) target(%dma_start3A_29 : memref<10240x32xf32, #tpu.memory_space<vmem_shared>>) offsets(%dma_start3A_26 : memref<128xi32, #tpu.memory_space<vmem>>) semaphore(%run_scoped3A : memref<!tpu.dma_semaphore, #tpu.memory_space<semaphore_mem>>) {add = true}
        %dma_wait3A = arith.constant 0 : i32
        %dma_wait3A_30 = tpu.memref_slice %arg6[%mul3A_22, %dma_wait3A] : memref<3200x32xf32, #tpu.memory_space<vmem>> -> memref<128x32xf32, #tpu.memory_space<vmem>>
        %dma_wait3A_31 = arith.constant 0 : i32
        %dma_wait3A_32 = tpu.memref_slice %arg8[%scan3A_20, %dma_wait3A_31] : memref<25x128xi32, #tpu.memory_space<vmem>> -> memref<1x128xi32, #tpu.memory_space<vmem>>
        %dma_wait3A_33 = tpu.memref_squeeze %dma_wait3A_32 : memref<1x128xi32, #tpu.memory_space<vmem>> -> memref<128xi32, #tpu.memory_space<vmem>>
        %dma_wait3A_34 = arith.constant 0 : i32
        %dma_wait3A_35 = arith.constant 0 : i32
        %dma_wait3A_36 = tpu.memref_slice %arg9[%dma_wait3A_34, %dma_wait3A_35] : memref<10240x32xf32, #tpu.memory_space<vmem_shared>> -> memref<10240x32xf32, #tpu.memory_space<vmem_shared>>
        tpu.wait_indirect_dma semaphore(%run_scoped3A : memref<!tpu.dma_semaphore, #tpu.memory_space<semaphore_mem>>) src(%dma_wait3A_30 : memref<128x32xf32, #tpu.memory_space<vmem>>) dst(%dma_wait3A_36 : memref<10240x32xf32, #tpu.memory_space<vmem_shared>>)
        tpu.yield
      }) : () -> ()
    }
    %scan3A_15 = arith.constant 25 : i32
    %barrier3A_16 = arith.constant 0 : index
    tpu.barrier barrier_id(%barrier3A_16)
    %mul3A_17 = arith.constant 10240 : i32
    %mul3A_18 = arith.muli %arg0, %mul3A_17 : i32
    %add3A_19 = arith.addi %mul3A_18, %mul3A_4 : i32
    "tpu.region"() ({
      %run_scoped3A = tpu.sem_alloc : memref<!tpu.dma_semaphore, #tpu.memory_space<semaphore_mem>>
      %dma_start3A = arith.constant 0 : i32
      %dma_start3A_20 = tpu.memref_slice %arg5[%add3A_19, %dma_start3A] : memref<20480x32xf32, #tpu.memory_space<hbm>> -> memref<640x32xf32, #tpu.memory_space<hbm>>
      %dma_start3A_21 = arith.constant 0 : i32
      %dma_start3A_22 = tpu.memref_slice %arg9[%mul3A_4, %dma_start3A_21] : memref<10240x32xf32, #tpu.memory_space<vmem_shared>> -> memref<640x32xf32, #tpu.memory_space<vmem_shared>>
      tpu.enqueue_dma source(%dma_start3A_22 : memref<640x32xf32, #tpu.memory_space<vmem_shared>>) target(%dma_start3A_20 : memref<640x32xf32, #tpu.memory_space<hbm>>) target_semaphore(%run_scoped3A : memref<!tpu.dma_semaphore, #tpu.memory_space<semaphore_mem>>)
      %dma_wait3A = arith.constant 0 : i32
      %dma_wait3A_23 = tpu.memref_slice %arg5[%add3A_19, %dma_wait3A] : memref<20480x32xf32, #tpu.memory_space<hbm>> -> memref<640x32xf32, #tpu.memory_space<hbm>>
      %dma_wait3A_24 = arith.constant 0 : i32
      %dma_wait3A_25 = tpu.memref_slice %arg9[%mul3A_4, %dma_wait3A_24] : memref<10240x32xf32, #tpu.memory_space<vmem_shared>> -> memref<640x32xf32, #tpu.memory_space<vmem_shared>>
      tpu.wait_dma2 semaphore(%run_scoped3A : memref<!tpu.dma_semaphore, #tpu.memory_space<semaphore_mem>>) src(%dma_wait3A_25 : memref<640x32xf32, #tpu.memory_space<vmem_shared>>) dst(%dma_wait3A_23 : memref<640x32xf32, #tpu.memory_space<hbm>>)
      tpu.yield
    }) : () -> ()
    return
  }
}

#map = affine_map<(d0, d1) -> (0, 0)>
#map1 = affine_map<(d0, d1) -> (0)>
module attributes {stable_mosaic.version = 14 : i64} {
  func.func @_gather_body(%arg0: i32, %arg1: i32, %arg2: memref<10000x32xf32, #tpu.memory_space<hbm>>, %arg3: memref<102400xi32, #tpu.memory_space<hbm>>, %arg4: memref<102400x32xf32, #tpu.memory_space<hbm>>, %arg5: memref<3200xi32, #tpu.memory_space<vmem>>, %arg6: memref<25x128xi32, #tpu.memory_space<vmem>>, %arg7: memref<3200x32xf32, #tpu.memory_space<vmem>>, %arg8: memref<!tpu.dma_semaphore, #tpu.memory_space<semaphore_mem>>, %arg9: memref<!tpu.dma_semaphore, #tpu.memory_space<semaphore_mem>>, %arg10: memref<!tpu.dma_semaphore, #tpu.memory_space<semaphore_mem>>, %arg11: memref<!tpu.dma_semaphore, #tpu.memory_space<semaphore_mem>>, %arg12: memref<!tpu.dma_semaphore, #tpu.memory_space<semaphore_mem>>, %arg13: memref<!tpu.dma_semaphore, #tpu.memory_space<semaphore_mem>>) attributes {dimension_semantics = [#tpu.dimension_semantics<core_parallel>, #tpu.dimension_semantics<subcore_parallel>], iteration_bounds = array<i64: 2, 16>, scalar_prefetch = 0 : i64, scratch_operands = 9 : i64, tpu.core_type = #tpu.core_type<sc_vector_subcore>, window_params = [{transform_indices = #map}, {transform_indices = #map1}, {transform_indices = #map}]} {
    %mul3A = arith.constant 2 : i32
    %mul3A_0 = arith.muli %arg1, %mul3A : i32
    %add3A = arith.addi %mul3A_0, %arg0 : i32
    %mul3A_1 = arith.constant 3200 : i32
    %mul3A_2 = arith.muli %add3A, %mul3A_1 : i32
    "tpu.region"() ({
      %run_scoped3A = tpu.sem_alloc : memref<!tpu.dma_semaphore, #tpu.memory_space<semaphore_mem>>
      %dma_start3A_616 = tpu.memref_slice %arg3[%mul3A_2] : memref<102400xi32, #tpu.memory_space<hbm>> -> memref<3200xi32, #tpu.memory_space<hbm>>
      %dma_start3A_617 = tpu.memref_slice %arg3[%mul3A_2] : memref<102400xi32, #tpu.memory_space<hbm>> -> memref<3200xi32, #tpu.memory_space<hbm>>
      tpu.enqueue_dma source(%dma_start3A_617 : memref<3200xi32, #tpu.memory_space<hbm>>) target(%arg5 : memref<3200xi32, #tpu.memory_space<vmem>>) target_semaphore(%run_scoped3A : memref<!tpu.dma_semaphore, #tpu.memory_space<semaphore_mem>>)
      %dma_wait3A_618 = tpu.memref_slice %arg3[%mul3A_2] : memref<102400xi32, #tpu.memory_space<hbm>> -> memref<3200xi32, #tpu.memory_space<hbm>>
      %dma_wait3A_619 = tpu.memref_slice %arg3[%mul3A_2] : memref<102400xi32, #tpu.memory_space<hbm>> -> memref<3200xi32, #tpu.memory_space<hbm>>
      tpu.wait_dma2 semaphore(%run_scoped3A : memref<!tpu.dma_semaphore, #tpu.memory_space<semaphore_mem>>) src(%dma_wait3A_619 : memref<3200xi32, #tpu.memory_space<hbm>>) dst(%arg5 : memref<3200xi32, #tpu.memory_space<vmem>>)
      tpu.yield
    }) : () -> ()
    %scan3A = arith.constant 0 : i32
    %scan3A_3 = arith.constant 0 : i32
    %scan3A_4 = arith.constant 200 : i32
    %scan3A_5 = arith.addi %scan3A_3, %scan3A_4 : i32
    %scan3A_6 = arith.constant 1 : i32
    scf.for %scan3A_616 = %scan3A_3 to %scan3A_5 step %scan3A_6  : i32 {
      %mul3A_617 = arith.constant 16 : i32
      %mul3A_618 = arith.muli %scan3A_616, %mul3A_617 : i32
      %iota3A = tpu.iota {dimensions = array<i32: 0>} : vector<16xi32>
      %add3A_619 = vector.broadcast %mul3A_618 : i32 to vector<16xi32>
      %add3A_620 = arith.addi %add3A_619, %iota3A : vector<16xi32>
      %shift_right_arithmetic3A = arith.constant 2 : i32
      %shift_right_arithmetic3A_621 = vector.broadcast %shift_right_arithmetic3A : i32 to vector<16xi32>
      %shift_right_arithmetic3A_622 = arith.shrsi %add3A_620, %shift_right_arithmetic3A_621 : vector<16xi32>
      %and3A = arith.constant 3 : i32
      %and3A_623 = vector.broadcast %and3A : i32 to vector<16xi32>
      %and3A_624 = arith.andi %add3A_620, %and3A_623 : vector<16xi32>
      %mul3A_625 = arith.constant 800 : i32
      %mul3A_626 = vector.broadcast %mul3A_625 : i32 to vector<16xi32>
      %mul3A_627 = arith.muli %and3A_624, %mul3A_626 : vector<16xi32>
      %add3A_628 = arith.addi %shift_right_arithmetic3A_622, %mul3A_627 : vector<16xi32>
      %gather3A = tpu.vector_load_idx %arg5[%add3A_628] : memref<3200xi32, #tpu.memory_space<vmem>>[vector<16xi32>], vector<16xi32>,
      %jit3A = arith.constant 8 : i32
      %div3A = arith.divsi %scan3A_616, %jit3A : i32
      %sign3A = arith.constant 0 : i32
      %sign3A_629 = arith.cmpi sgt, %scan3A_616, %sign3A : i32
      %sign3A_630 = arith.extui %sign3A_629 : i1 to i32
      %sign3A_631 = arith.constant 0 : i32
      %sign3A_632 = arith.cmpi slt, %scan3A_616, %sign3A_631 : i32
      %sign3A_633 = arith.extui %sign3A_632 : i1 to i32
      %sign3A_634 = arith.subi %sign3A_630, %sign3A_633 : i32
      %sign3A_635 = arith.constant 0 : i32
      %sign3A_636 = arith.cmpi sgt, %jit3A, %sign3A_635 : i32
      %sign3A_637 = arith.extui %sign3A_636 : i1 to i32
      %sign3A_638 = arith.constant 0 : i32
      %sign3A_639 = arith.cmpi slt, %jit3A, %sign3A_638 : i32
      %sign3A_640 = arith.extui %sign3A_639 : i1 to i32
      %sign3A_641 = arith.subi %sign3A_637, %sign3A_640 : i32
      %ne3A = arith.cmpi ne, %sign3A_634, %sign3A_641 : i32
      %rem3A = arith.remsi %scan3A_616, %jit3A : i32
      %ne3A_642 = arith.constant 0 : i32
      %ne3A_643 = arith.cmpi ne, %rem3A, %ne3A_642 : i32
      %and3A_644 = arith.andi %ne3A, %ne3A_643 : i1
      %sub3A = arith.constant 1 : i32
      %sub3A_645 = arith.subi %div3A, %sub3A : i32
      %select_n3A = arith.select %and3A_644, %sub3A_645, %div3A : i32
      %jit3A_646 = arith.constant 8 : i32
      %eq3A = arith.constant 0 : i32
      %eq3A_647 = arith.cmpi eq, %jit3A_646, %eq3A : i32
      %jit3A_648 = arith.constant 1 : i32
      %select_n3A_649 = arith.select %eq3A_647, %jit3A_648, %jit3A_646 : i32
      %rem3A_650 = arith.remsi %scan3A_616, %select_n3A_649 : i32
      %ne3A_651 = arith.constant 0 : i32
      %ne3A_652 = arith.cmpi ne, %rem3A_650, %ne3A_651 : i32
      %lt3A = arith.constant 0 : i32
      %lt3A_653 = arith.cmpi slt, %rem3A_650, %lt3A : i32
      %lt3A_654 = arith.constant 0 : i32
      %lt3A_655 = arith.cmpi slt, %select_n3A_649, %lt3A_654 : i32
      %ne3A_656 = arith.xori %lt3A_653, %lt3A_655 : i1
      %and3A_657 = arith.andi %ne3A_656, %ne3A_652 : i1
      %add3A_658 = arith.addi %rem3A_650, %select_n3A_649 : i32
      %select_n3A_659 = arith.select %and3A_657, %add3A_658, %rem3A_650 : i32
      %mul3A_660 = arith.constant 16 : i32
      %mul3A_661 = arith.muli %select_n3A_659, %mul3A_660 : i32
      %swap3A = arith.index_cast %select_n3A : i32 to index
      %swap3A_662 = arith.index_cast %mul3A_661 : i32 to index
      %swap3A_663 = tpu.vector_load %arg6[%swap3A, %swap3A_662] {strides = array<i32>} : memref<25x128xi32, #tpu.memory_space<vmem>>, vector<16xi32>,
      tpu.vector_store %arg6[%swap3A, %swap3A_662], %gather3A {strides = array<i32>} : memref<25x128xi32, #tpu.memory_space<vmem>>, vector<16xi32>,
    }
    %scan3A_7 = arith.constant 200 : i32
    %dma_start3A = arith.constant 0 : i32
    %dma_start3A_8 = arith.constant 0 : i32
    %dma_start3A_9 = arith.constant 0 : i32
    %dma_start3A_10 = tpu.memref_slice %arg7[%dma_start3A_8, %dma_start3A_9] : memref<3200x32xf32, #tpu.memory_space<vmem>> -> memref<128x32xf32, #tpu.memory_space<vmem>>
    %dma_start3A_11 = arith.constant 0 : i32
    %dma_start3A_12 = tpu.memref_slice %arg6[%dma_start3A, %dma_start3A_11] : memref<25x128xi32, #tpu.memory_space<vmem>> -> memref<1x128xi32, #tpu.memory_space<vmem>>
    %dma_start3A_13 = tpu.memref_squeeze %dma_start3A_12 : memref<1x128xi32, #tpu.memory_space<vmem>> -> memref<128xi32, #tpu.memory_space<vmem>>
    %dma_start3A_14 = arith.constant 0 : i32
    %dma_start3A_15 = arith.constant 0 : i32
    %dma_start3A_16 = tpu.memref_slice %arg2[%dma_start3A_14, %dma_start3A_15] : memref<10000x32xf32, #tpu.memory_space<hbm>> -> memref<10000x32xf32, #tpu.memory_space<hbm>>
    tpu.enqueue_indirect_dma source(%dma_start3A_16 : memref<10000x32xf32, #tpu.memory_space<hbm>>) target(%dma_start3A_10 : memref<128x32xf32, #tpu.memory_space<vmem>>) offsets(%dma_start3A_13 : memref<128xi32, #tpu.memory_space<vmem>>) semaphore(%arg8 : memref<!tpu.dma_semaphore, #tpu.memory_space<semaphore_mem>>)
    %dma_start3A_17 = arith.constant 1 : i32
    %dma_start3A_18 = arith.constant 128 : i32
    %dma_start3A_19 = arith.constant 0 : i32
    %dma_start3A_20 = tpu.memref_slice %arg7[%dma_start3A_18, %dma_start3A_19] : memref<3200x32xf32, #tpu.memory_space<vmem>> -> memref<128x32xf32, #tpu.memory_space<vmem>>
    %dma_start3A_21 = arith.constant 0 : i32
    %dma_start3A_22 = tpu.memref_slice %arg6[%dma_start3A_17, %dma_start3A_21] : memref<25x128xi32, #tpu.memory_space<vmem>> -> memref<1x128xi32, #tpu.memory_space<vmem>>
    %dma_start3A_23 = tpu.memref_squeeze %dma_start3A_22 : memref<1x128xi32, #tpu.memory_space<vmem>> -> memref<128xi32, #tpu.memory_space<vmem>>
    %dma_start3A_24 = arith.constant 0 : i32
    %dma_start3A_25 = arith.constant 0 : i32
    %dma_start3A_26 = tpu.memref_slice %arg2[%dma_start3A_24, %dma_start3A_25] : memref<10000x32xf32, #tpu.memory_space<hbm>> -> memref<10000x32xf32, #tpu.memory_space<hbm>>
    tpu.enqueue_indirect_dma source(%dma_start3A_26 : memref<10000x32xf32, #tpu.memory_space<hbm>>) target(%dma_start3A_20 : memref<128x32xf32, #tpu.memory_space<vmem>>) offsets(%dma_start3A_23 : memref<128xi32, #tpu.memory_space<vmem>>) semaphore(%arg8 : memref<!tpu.dma_semaphore, #tpu.memory_space<semaphore_mem>>)
    %dma_start3A_27 = arith.constant 2 : i32
    %dma_start3A_28 = arith.constant 256 : i32
    %dma_start3A_29 = arith.constant 0 : i32
    %dma_start3A_30 = tpu.memref_slice %arg7[%dma_start3A_28, %dma_start3A_29] : memref<3200x32xf32, #tpu.memory_space<vmem>> -> memref<128x32xf32, #tpu.memory_space<vmem>>
    %dma_start3A_31 = arith.constant 0 : i32
    %dma_start3A_32 = tpu.memref_slice %arg6[%dma_start3A_27, %dma_start3A_31] : memref<25x128xi32, #tpu.memory_space<vmem>> -> memref<1x128xi32, #tpu.memory_space<vmem>>
    %dma_start3A_33 = tpu.memref_squeeze %dma_start3A_32 : memref<1x128xi32, #tpu.memory_space<vmem>> -> memref<128xi32, #tpu.memory_space<vmem>>
    %dma_start3A_34 = arith.constant 0 : i32
    %dma_start3A_35 = arith.constant 0 : i32
    %dma_start3A_36 = tpu.memref_slice %arg2[%dma_start3A_34, %dma_start3A_35] : memref<10000x32xf32, #tpu.memory_space<hbm>> -> memref<10000x32xf32, #tpu.memory_space<hbm>>
    tpu.enqueue_indirect_dma source(%dma_start3A_36 : memref<10000x32xf32, #tpu.memory_space<hbm>>) target(%dma_start3A_30 : memref<128x32xf32, #tpu.memory_space<vmem>>) offsets(%dma_start3A_33 : memref<128xi32, #tpu.memory_space<vmem>>) semaphore(%arg8 : memref<!tpu.dma_semaphore, #tpu.memory_space<semaphore_mem>>)
    %dma_start3A_37 = arith.constant 3 : i32
    %dma_start3A_38 = arith.constant 384 : i32
    %dma_start3A_39 = arith.constant 0 : i32
    %dma_start3A_40 = tpu.memref_slice %arg7[%dma_start3A_38, %dma_start3A_39] : memref<3200x32xf32, #tpu.memory_space<vmem>> -> memref<128x32xf32, #tpu.memory_space<vmem>>
    %dma_start3A_41 = arith.constant 0 : i32
    %dma_start3A_42 = tpu.memref_slice %arg6[%dma_start3A_37, %dma_start3A_41] : memref<25x128xi32, #tpu.memory_space<vmem>> -> memref<1x128xi32, #tpu.memory_space<vmem>>
    %dma_start3A_43 = tpu.memref_squeeze %dma_start3A_42 : memref<1x128xi32, #tpu.memory_space<vmem>> -> memref<128xi32, #tpu.memory_space<vmem>>
    %dma_start3A_44 = arith.constant 0 : i32
    %dma_start3A_45 = arith.constant 0 : i32
    %dma_start3A_46 = tpu.memref_slice %arg2[%dma_start3A_44, %dma_start3A_45] : memref<10000x32xf32, #tpu.memory_space<hbm>> -> memref<10000x32xf32, #tpu.memory_space<hbm>>
    tpu.enqueue_indirect_dma source(%dma_start3A_46 : memref<10000x32xf32, #tpu.memory_space<hbm>>) target(%dma_start3A_40 : memref<128x32xf32, #tpu.memory_space<vmem>>) offsets(%dma_start3A_43 : memref<128xi32, #tpu.memory_space<vmem>>) semaphore(%arg8 : memref<!tpu.dma_semaphore, #tpu.memory_space<semaphore_mem>>)
    %dma_start3A_47 = arith.constant 4 : i32
    %dma_start3A_48 = arith.constant 512 : i32
    %dma_start3A_49 = arith.constant 0 : i32
    %dma_start3A_50 = tpu.memref_slice %arg7[%dma_start3A_48, %dma_start3A_49] : memref<3200x32xf32, #tpu.memory_space<vmem>> -> memref<128x32xf32, #tpu.memory_space<vmem>>
    %dma_start3A_51 = arith.constant 0 : i32
    %dma_start3A_52 = tpu.memref_slice %arg6[%dma_start3A_47, %dma_start3A_51] : memref<25x128xi32, #tpu.memory_space<vmem>> -> memref<1x128xi32, #tpu.memory_space<vmem>>
    %dma_start3A_53 = tpu.memref_squeeze %dma_start3A_52 : memref<1x128xi32, #tpu.memory_space<vmem>> -> memref<128xi32, #tpu.memory_space<vmem>>
    %dma_start3A_54 = arith.constant 0 : i32
    %dma_start3A_55 = arith.constant 0 : i32
    %dma_start3A_56 = tpu.memref_slice %arg2[%dma_start3A_54, %dma_start3A_55] : memref<10000x32xf32, #tpu.memory_space<hbm>> -> memref<10000x32xf32, #tpu.memory_space<hbm>>
    tpu.enqueue_indirect_dma source(%dma_start3A_56 : memref<10000x32xf32, #tpu.memory_space<hbm>>) target(%dma_start3A_50 : memref<128x32xf32, #tpu.memory_space<vmem>>) offsets(%dma_start3A_53 : memref<128xi32, #tpu.memory_space<vmem>>) semaphore(%arg8 : memref<!tpu.dma_semaphore, #tpu.memory_space<semaphore_mem>>)
    %dma_start3A_57 = arith.constant 5 : i32
    %dma_start3A_58 = arith.constant 640 : i32
    %dma_start3A_59 = arith.constant 0 : i32
    %dma_start3A_60 = tpu.memref_slice %arg7[%dma_start3A_58, %dma_start3A_59] : memref<3200x32xf32, #tpu.memory_space<vmem>> -> memref<128x32xf32, #tpu.memory_space<vmem>>
    %dma_start3A_61 = arith.constant 0 : i32
    %dma_start3A_62 = tpu.memref_slice %arg6[%dma_start3A_57, %dma_start3A_61] : memref<25x128xi32, #tpu.memory_space<vmem>> -> memref<1x128xi32, #tpu.memory_space<vmem>>
    %dma_start3A_63 = tpu.memref_squeeze %dma_start3A_62 : memref<1x128xi32, #tpu.memory_space<vmem>> -> memref<128xi32, #tpu.memory_space<vmem>>
    %dma_start3A_64 = arith.constant 0 : i32
    %dma_start3A_65 = arith.constant 0 : i32
    %dma_start3A_66 = tpu.memref_slice %arg2[%dma_start3A_64, %dma_start3A_65] : memref<10000x32xf32, #tpu.memory_space<hbm>> -> memref<10000x32xf32, #tpu.memory_space<hbm>>
    tpu.enqueue_indirect_dma source(%dma_start3A_66 : memref<10000x32xf32, #tpu.memory_space<hbm>>) target(%dma_start3A_60 : memref<128x32xf32, #tpu.memory_space<vmem>>) offsets(%dma_start3A_63 : memref<128xi32, #tpu.memory_space<vmem>>) semaphore(%arg9 : memref<!tpu.dma_semaphore, #tpu.memory_space<semaphore_mem>>)
    %dma_start3A_67 = arith.constant 6 : i32
    %dma_start3A_68 = arith.constant 768 : i32
    %dma_start3A_69 = arith.constant 0 : i32
    %dma_start3A_70 = tpu.memref_slice %arg7[%dma_start3A_68, %dma_start3A_69] : memref<3200x32xf32, #tpu.memory_space<vmem>> -> memref<128x32xf32, #tpu.memory_space<vmem>>
    %dma_start3A_71 = arith.constant 0 : i32
    %dma_start3A_72 = tpu.memref_slice %arg6[%dma_start3A_67, %dma_start3A_71] : memref<25x128xi32, #tpu.memory_space<vmem>> -> memref<1x128xi32, #tpu.memory_space<vmem>>
    %dma_start3A_73 = tpu.memref_squeeze %dma_start3A_72 : memref<1x128xi32, #tpu.memory_space<vmem>> -> memref<128xi32, #tpu.memory_space<vmem>>
    %dma_start3A_74 = arith.constant 0 : i32
    %dma_start3A_75 = arith.constant 0 : i32
    %dma_start3A_76 = tpu.memref_slice %arg2[%dma_start3A_74, %dma_start3A_75] : memref<10000x32xf32, #tpu.memory_space<hbm>> -> memref<10000x32xf32, #tpu.memory_space<hbm>>
    tpu.enqueue_indirect_dma source(%dma_start3A_76 : memref<10000x32xf32, #tpu.memory_space<hbm>>) target(%dma_start3A_70 : memref<128x32xf32, #tpu.memory_space<vmem>>) offsets(%dma_start3A_73 : memref<128xi32, #tpu.memory_space<vmem>>) semaphore(%arg9 : memref<!tpu.dma_semaphore, #tpu.memory_space<semaphore_mem>>)
    %dma_start3A_77 = arith.constant 7 : i32
    %dma_start3A_78 = arith.constant 896 : i32
    %dma_start3A_79 = arith.constant 0 : i32
    %dma_start3A_80 = tpu.memref_slice %arg7[%dma_start3A_78, %dma_start3A_79] : memref<3200x32xf32, #tpu.memory_space<vmem>> -> memref<128x32xf32, #tpu.memory_space<vmem>>
    %dma_start3A_81 = arith.constant 0 : i32
    %dma_start3A_82 = tpu.memref_slice %arg6[%dma_start3A_77, %dma_start3A_81] : memref<25x128xi32, #tpu.memory_space<vmem>> -> memref<1x128xi32, #tpu.memory_space<vmem>>
    %dma_start3A_83 = tpu.memref_squeeze %dma_start3A_82 : memref<1x128xi32, #tpu.memory_space<vmem>> -> memref<128xi32, #tpu.memory_space<vmem>>
    %dma_start3A_84 = arith.constant 0 : i32
    %dma_start3A_85 = arith.constant 0 : i32
    %dma_start3A_86 = tpu.memref_slice %arg2[%dma_start3A_84, %dma_start3A_85] : memref<10000x32xf32, #tpu.memory_space<hbm>> -> memref<10000x32xf32, #tpu.memory_space<hbm>>
    tpu.enqueue_indirect_dma source(%dma_start3A_86 : memref<10000x32xf32, #tpu.memory_space<hbm>>) target(%dma_start3A_80 : memref<128x32xf32, #tpu.memory_space<vmem>>) offsets(%dma_start3A_83 : memref<128xi32, #tpu.memory_space<vmem>>) semaphore(%arg9 : memref<!tpu.dma_semaphore, #tpu.memory_space<semaphore_mem>>)
    %dma_start3A_87 = arith.constant 8 : i32
    %dma_start3A_88 = arith.constant 1024 : i32
    %dma_start3A_89 = arith.constant 0 : i32
    %dma_start3A_90 = tpu.memref_slice %arg7[%dma_start3A_88, %dma_start3A_89] : memref<3200x32xf32, #tpu.memory_space<vmem>> -> memref<128x32xf32, #tpu.memory_space<vmem>>
    %dma_start3A_91 = arith.constant 0 : i32
    %dma_start3A_92 = tpu.memref_slice %arg6[%dma_start3A_87, %dma_start3A_91] : memref<25x128xi32, #tpu.memory_space<vmem>> -> memref<1x128xi32, #tpu.memory_space<vmem>>
    %dma_start3A_93 = tpu.memref_squeeze %dma_start3A_92 : memref<1x128xi32, #tpu.memory_space<vmem>> -> memref<128xi32, #tpu.memory_space<vmem>>
    %dma_start3A_94 = arith.constant 0 : i32
    %dma_start3A_95 = arith.constant 0 : i32
    %dma_start3A_96 = tpu.memref_slice %arg2[%dma_start3A_94, %dma_start3A_95] : memref<10000x32xf32, #tpu.memory_space<hbm>> -> memref<10000x32xf32, #tpu.memory_space<hbm>>
    tpu.enqueue_indirect_dma source(%dma_start3A_96 : memref<10000x32xf32, #tpu.memory_space<hbm>>) target(%dma_start3A_90 : memref<128x32xf32, #tpu.memory_space<vmem>>) offsets(%dma_start3A_93 : memref<128xi32, #tpu.memory_space<vmem>>) semaphore(%arg9 : memref<!tpu.dma_semaphore, #tpu.memory_space<semaphore_mem>>)
    %dma_start3A_97 = arith.constant 9 : i32
    %dma_start3A_98 = arith.constant 1152 : i32
    %dma_start3A_99 = arith.constant 0 : i32
    %dma_start3A_100 = tpu.memref_slice %arg7[%dma_start3A_98, %dma_start3A_99] : memref<3200x32xf32, #tpu.memory_space<vmem>> -> memref<128x32xf32, #tpu.memory_space<vmem>>
    %dma_start3A_101 = arith.constant 0 : i32
    %dma_start3A_102 = tpu.memref_slice %arg6[%dma_start3A_97, %dma_start3A_101] : memref<25x128xi32, #tpu.memory_space<vmem>> -> memref<1x128xi32, #tpu.memory_space<vmem>>
    %dma_start3A_103 = tpu.memref_squeeze %dma_start3A_102 : memref<1x128xi32, #tpu.memory_space<vmem>> -> memref<128xi32, #tpu.memory_space<vmem>>
    %dma_start3A_104 = arith.constant 0 : i32
    %dma_start3A_105 = arith.constant 0 : i32
    %dma_start3A_106 = tpu.memref_slice %arg2[%dma_start3A_104, %dma_start3A_105] : memref<10000x32xf32, #tpu.memory_space<hbm>> -> memref<10000x32xf32, #tpu.memory_space<hbm>>
    tpu.enqueue_indirect_dma source(%dma_start3A_106 : memref<10000x32xf32, #tpu.memory_space<hbm>>) target(%dma_start3A_100 : memref<128x32xf32, #tpu.memory_space<vmem>>) offsets(%dma_start3A_103 : memref<128xi32, #tpu.memory_space<vmem>>) semaphore(%arg9 : memref<!tpu.dma_semaphore, #tpu.memory_space<semaphore_mem>>)
    %dma_start3A_107 = arith.constant 10 : i32
    %dma_start3A_108 = arith.constant 1280 : i32
    %dma_start3A_109 = arith.constant 0 : i32
    %dma_start3A_110 = tpu.memref_slice %arg7[%dma_start3A_108, %dma_start3A_109] : memref<3200x32xf32, #tpu.memory_space<vmem>> -> memref<128x32xf32, #tpu.memory_space<vmem>>
    %dma_start3A_111 = arith.constant 0 : i32
    %dma_start3A_112 = tpu.memref_slice %arg6[%dma_start3A_107, %dma_start3A_111] : memref<25x128xi32, #tpu.memory_space<vmem>> -> memref<1x128xi32, #tpu.memory_space<vmem>>
    %dma_start3A_113 = tpu.memref_squeeze %dma_start3A_112 : memref<1x128xi32, #tpu.memory_space<vmem>> -> memref<128xi32, #tpu.memory_space<vmem>>
    %dma_start3A_114 = arith.constant 0 : i32
    %dma_start3A_115 = arith.constant 0 : i32
    %dma_start3A_116 = tpu.memref_slice %arg2[%dma_start3A_114, %dma_start3A_115] : memref<10000x32xf32, #tpu.memory_space<hbm>> -> memref<10000x32xf32, #tpu.memory_space<hbm>>
    tpu.enqueue_indirect_dma source(%dma_start3A_116 : memref<10000x32xf32, #tpu.memory_space<hbm>>) target(%dma_start3A_110 : memref<128x32xf32, #tpu.memory_space<vmem>>) offsets(%dma_start3A_113 : memref<128xi32, #tpu.memory_space<vmem>>) semaphore(%arg10 : memref<!tpu.dma_semaphore, #tpu.memory_space<semaphore_mem>>)
    %dma_start3A_117 = arith.constant 11 : i32
    %dma_start3A_118 = arith.constant 1408 : i32
    %dma_start3A_119 = arith.constant 0 : i32
    %dma_start3A_120 = tpu.memref_slice %arg7[%dma_start3A_118, %dma_start3A_119] : memref<3200x32xf32, #tpu.memory_space<vmem>> -> memref<128x32xf32, #tpu.memory_space<vmem>>
    %dma_start3A_121 = arith.constant 0 : i32
    %dma_start3A_122 = tpu.memref_slice %arg6[%dma_start3A_117, %dma_start3A_121] : memref<25x128xi32, #tpu.memory_space<vmem>> -> memref<1x128xi32, #tpu.memory_space<vmem>>
    %dma_start3A_123 = tpu.memref_squeeze %dma_start3A_122 : memref<1x128xi32, #tpu.memory_space<vmem>> -> memref<128xi32, #tpu.memory_space<vmem>>
    %dma_start3A_124 = arith.constant 0 : i32
    %dma_start3A_125 = arith.constant 0 : i32
    %dma_start3A_126 = tpu.memref_slice %arg2[%dma_start3A_124, %dma_start3A_125] : memref<10000x32xf32, #tpu.memory_space<hbm>> -> memref<10000x32xf32, #tpu.memory_space<hbm>>
    tpu.enqueue_indirect_dma source(%dma_start3A_126 : memref<10000x32xf32, #tpu.memory_space<hbm>>) target(%dma_start3A_120 : memref<128x32xf32, #tpu.memory_space<vmem>>) offsets(%dma_start3A_123 : memref<128xi32, #tpu.memory_space<vmem>>) semaphore(%arg10 : memref<!tpu.dma_semaphore, #tpu.memory_space<semaphore_mem>>)
    %dma_start3A_127 = arith.constant 12 : i32
    %dma_start3A_128 = arith.constant 1536 : i32
    %dma_start3A_129 = arith.constant 0 : i32
    %dma_start3A_130 = tpu.memref_slice %arg7[%dma_start3A_128, %dma_start3A_129] : memref<3200x32xf32, #tpu.memory_space<vmem>> -> memref<128x32xf32, #tpu.memory_space<vmem>>
    %dma_start3A_131 = arith.constant 0 : i32
    %dma_start3A_132 = tpu.memref_slice %arg6[%dma_start3A_127, %dma_start3A_131] : memref<25x128xi32, #tpu.memory_space<vmem>> -> memref<1x128xi32, #tpu.memory_space<vmem>>
    %dma_start3A_133 = tpu.memref_squeeze %dma_start3A_132 : memref<1x128xi32, #tpu.memory_space<vmem>> -> memref<128xi32, #tpu.memory_space<vmem>>
    %dma_start3A_134 = arith.constant 0 : i32
    %dma_start3A_135 = arith.constant 0 : i32
    %dma_start3A_136 = tpu.memref_slice %arg2[%dma_start3A_134, %dma_start3A_135] : memref<10000x32xf32, #tpu.memory_space<hbm>> -> memref<10000x32xf32, #tpu.memory_space<hbm>>
    tpu.enqueue_indirect_dma source(%dma_start3A_136 : memref<10000x32xf32, #tpu.memory_space<hbm>>) target(%dma_start3A_130 : memref<128x32xf32, #tpu.memory_space<vmem>>) offsets(%dma_start3A_133 : memref<128xi32, #tpu.memory_space<vmem>>) semaphore(%arg10 : memref<!tpu.dma_semaphore, #tpu.memory_space<semaphore_mem>>)
    %dma_start3A_137 = arith.constant 13 : i32
    %dma_start3A_138 = arith.constant 1664 : i32
    %dma_start3A_139 = arith.constant 0 : i32
    %dma_start3A_140 = tpu.memref_slice %arg7[%dma_start3A_138, %dma_start3A_139] : memref<3200x32xf32, #tpu.memory_space<vmem>> -> memref<128x32xf32, #tpu.memory_space<vmem>>
    %dma_start3A_141 = arith.constant 0 : i32
    %dma_start3A_142 = tpu.memref_slice %arg6[%dma_start3A_137, %dma_start3A_141] : memref<25x128xi32, #tpu.memory_space<vmem>> -> memref<1x128xi32, #tpu.memory_space<vmem>>
    %dma_start3A_143 = tpu.memref_squeeze %dma_start3A_142 : memref<1x128xi32, #tpu.memory_space<vmem>> -> memref<128xi32, #tpu.memory_space<vmem>>
    %dma_start3A_144 = arith.constant 0 : i32
    %dma_start3A_145 = arith.constant 0 : i32
    %dma_start3A_146 = tpu.memref_slice %arg2[%dma_start3A_144, %dma_start3A_145] : memref<10000x32xf32, #tpu.memory_space<hbm>> -> memref<10000x32xf32, #tpu.memory_space<hbm>>
    tpu.enqueue_indirect_dma source(%dma_start3A_146 : memref<10000x32xf32, #tpu.memory_space<hbm>>) target(%dma_start3A_140 : memref<128x32xf32, #tpu.memory_space<vmem>>) offsets(%dma_start3A_143 : memref<128xi32, #tpu.memory_space<vmem>>) semaphore(%arg10 : memref<!tpu.dma_semaphore, #tpu.memory_space<semaphore_mem>>)
    %dma_start3A_147 = arith.constant 14 : i32
    %dma_start3A_148 = arith.constant 1792 : i32
    %dma_start3A_149 = arith.constant 0 : i32
    %dma_start3A_150 = tpu.memref_slice %arg7[%dma_start3A_148, %dma_start3A_149] : memref<3200x32xf32, #tpu.memory_space<vmem>> -> memref<128x32xf32, #tpu.memory_space<vmem>>
    %dma_start3A_151 = arith.constant 0 : i32
    %dma_start3A_152 = tpu.memref_slice %arg6[%dma_start3A_147, %dma_start3A_151] : memref<25x128xi32, #tpu.memory_space<vmem>> -> memref<1x128xi32, #tpu.memory_space<vmem>>
    %dma_start3A_153 = tpu.memref_squeeze %dma_start3A_152 : memref<1x128xi32, #tpu.memory_space<vmem>> -> memref<128xi32, #tpu.memory_space<vmem>>
    %dma_start3A_154 = arith.constant 0 : i32
    %dma_start3A_155 = arith.constant 0 : i32
    %dma_start3A_156 = tpu.memref_slice %arg2[%dma_start3A_154, %dma_start3A_155] : memref<10000x32xf32, #tpu.memory_space<hbm>> -> memref<10000x32xf32, #tpu.memory_space<hbm>>
    tpu.enqueue_indirect_dma source(%dma_start3A_156 : memref<10000x32xf32, #tpu.memory_space<hbm>>) target(%dma_start3A_150 : memref<128x32xf32, #tpu.memory_space<vmem>>) offsets(%dma_start3A_153 : memref<128xi32, #tpu.memory_space<vmem>>) semaphore(%arg10 : memref<!tpu.dma_semaphore, #tpu.memory_space<semaphore_mem>>)
    %dma_start3A_157 = arith.constant 15 : i32
    %dma_start3A_158 = arith.constant 1920 : i32
    %dma_start3A_159 = arith.constant 0 : i32
    %dma_start3A_160 = tpu.memref_slice %arg7[%dma_start3A_158, %dma_start3A_159] : memref<3200x32xf32, #tpu.memory_space<vmem>> -> memref<128x32xf32, #tpu.memory_space<vmem>>
    %dma_start3A_161 = arith.constant 0 : i32
    %dma_start3A_162 = tpu.memref_slice %arg6[%dma_start3A_157, %dma_start3A_161] : memref<25x128xi32, #tpu.memory_space<vmem>> -> memref<1x128xi32, #tpu.memory_space<vmem>>
    %dma_start3A_163 = tpu.memref_squeeze %dma_start3A_162 : memref<1x128xi32, #tpu.memory_space<vmem>> -> memref<128xi32, #tpu.memory_space<vmem>>
    %dma_start3A_164 = arith.constant 0 : i32
    %dma_start3A_165 = arith.constant 0 : i32
    %dma_start3A_166 = tpu.memref_slice %arg2[%dma_start3A_164, %dma_start3A_165] : memref<10000x32xf32, #tpu.memory_space<hbm>> -> memref<10000x32xf32, #tpu.memory_space<hbm>>
    tpu.enqueue_indirect_dma source(%dma_start3A_166 : memref<10000x32xf32, #tpu.memory_space<hbm>>) target(%dma_start3A_160 : memref<128x32xf32, #tpu.memory_space<vmem>>) offsets(%dma_start3A_163 : memref<128xi32, #tpu.memory_space<vmem>>) semaphore(%arg11 : memref<!tpu.dma_semaphore, #tpu.memory_space<semaphore_mem>>)
    %dma_start3A_167 = arith.constant 16 : i32
    %dma_start3A_168 = arith.constant 2048 : i32
    %dma_start3A_169 = arith.constant 0 : i32
    %dma_start3A_170 = tpu.memref_slice %arg7[%dma_start3A_168, %dma_start3A_169] : memref<3200x32xf32, #tpu.memory_space<vmem>> -> memref<128x32xf32, #tpu.memory_space<vmem>>
    %dma_start3A_171 = arith.constant 0 : i32
    %dma_start3A_172 = tpu.memref_slice %arg6[%dma_start3A_167, %dma_start3A_171] : memref<25x128xi32, #tpu.memory_space<vmem>> -> memref<1x128xi32, #tpu.memory_space<vmem>>
    %dma_start3A_173 = tpu.memref_squeeze %dma_start3A_172 : memref<1x128xi32, #tpu.memory_space<vmem>> -> memref<128xi32, #tpu.memory_space<vmem>>
    %dma_start3A_174 = arith.constant 0 : i32
    %dma_start3A_175 = arith.constant 0 : i32
    %dma_start3A_176 = tpu.memref_slice %arg2[%dma_start3A_174, %dma_start3A_175] : memref<10000x32xf32, #tpu.memory_space<hbm>> -> memref<10000x32xf32, #tpu.memory_space<hbm>>
    tpu.enqueue_indirect_dma source(%dma_start3A_176 : memref<10000x32xf32, #tpu.memory_space<hbm>>) target(%dma_start3A_170 : memref<128x32xf32, #tpu.memory_space<vmem>>) offsets(%dma_start3A_173 : memref<128xi32, #tpu.memory_space<vmem>>) semaphore(%arg11 : memref<!tpu.dma_semaphore, #tpu.memory_space<semaphore_mem>>)
    %dma_start3A_177 = arith.constant 17 : i32
    %dma_start3A_178 = arith.constant 2176 : i32
    %dma_start3A_179 = arith.constant 0 : i32
    %dma_start3A_180 = tpu.memref_slice %arg7[%dma_start3A_178, %dma_start3A_179] : memref<3200x32xf32, #tpu.memory_space<vmem>> -> memref<128x32xf32, #tpu.memory_space<vmem>>
    %dma_start3A_181 = arith.constant 0 : i32
    %dma_start3A_182 = tpu.memref_slice %arg6[%dma_start3A_177, %dma_start3A_181] : memref<25x128xi32, #tpu.memory_space<vmem>> -> memref<1x128xi32, #tpu.memory_space<vmem>>
    %dma_start3A_183 = tpu.memref_squeeze %dma_start3A_182 : memref<1x128xi32, #tpu.memory_space<vmem>> -> memref<128xi32, #tpu.memory_space<vmem>>
    %dma_start3A_184 = arith.constant 0 : i32
    %dma_start3A_185 = arith.constant 0 : i32
    %dma_start3A_186 = tpu.memref_slice %arg2[%dma_start3A_184, %dma_start3A_185] : memref<10000x32xf32, #tpu.memory_space<hbm>> -> memref<10000x32xf32, #tpu.memory_space<hbm>>
    tpu.enqueue_indirect_dma source(%dma_start3A_186 : memref<10000x32xf32, #tpu.memory_space<hbm>>) target(%dma_start3A_180 : memref<128x32xf32, #tpu.memory_space<vmem>>) offsets(%dma_start3A_183 : memref<128xi32, #tpu.memory_space<vmem>>) semaphore(%arg11 : memref<!tpu.dma_semaphore, #tpu.memory_space<semaphore_mem>>)
    %dma_start3A_187 = arith.constant 18 : i32
    %dma_start3A_188 = arith.constant 2304 : i32
    %dma_start3A_189 = arith.constant 0 : i32
    %dma_start3A_190 = tpu.memref_slice %arg7[%dma_start3A_188, %dma_start3A_189] : memref<3200x32xf32, #tpu.memory_space<vmem>> -> memref<128x32xf32, #tpu.memory_space<vmem>>
    %dma_start3A_191 = arith.constant 0 : i32
    %dma_start3A_192 = tpu.memref_slice %arg6[%dma_start3A_187, %dma_start3A_191] : memref<25x128xi32, #tpu.memory_space<vmem>> -> memref<1x128xi32, #tpu.memory_space<vmem>>
    %dma_start3A_193 = tpu.memref_squeeze %dma_start3A_192 : memref<1x128xi32, #tpu.memory_space<vmem>> -> memref<128xi32, #tpu.memory_space<vmem>>
    %dma_start3A_194 = arith.constant 0 : i32
    %dma_start3A_195 = arith.constant 0 : i32
    %dma_start3A_196 = tpu.memref_slice %arg2[%dma_start3A_194, %dma_start3A_195] : memref<10000x32xf32, #tpu.memory_space<hbm>> -> memref<10000x32xf32, #tpu.memory_space<hbm>>
    tpu.enqueue_indirect_dma source(%dma_start3A_196 : memref<10000x32xf32, #tpu.memory_space<hbm>>) target(%dma_start3A_190 : memref<128x32xf32, #tpu.memory_space<vmem>>) offsets(%dma_start3A_193 : memref<128xi32, #tpu.memory_space<vmem>>) semaphore(%arg11 : memref<!tpu.dma_semaphore, #tpu.memory_space<semaphore_mem>>)
    %dma_start3A_197 = arith.constant 19 : i32
    %dma_start3A_198 = arith.constant 2432 : i32
    %dma_start3A_199 = arith.constant 0 : i32
    %dma_start3A_200 = tpu.memref_slice %arg7[%dma_start3A_198, %dma_start3A_199] : memref<3200x32xf32, #tpu.memory_space<vmem>> -> memref<128x32xf32, #tpu.memory_space<vmem>>
    %dma_start3A_201 = arith.constant 0 : i32
    %dma_start3A_202 = tpu.memref_slice %arg6[%dma_start3A_197, %dma_start3A_201] : memref<25x128xi32, #tpu.memory_space<vmem>> -> memref<1x128xi32, #tpu.memory_space<vmem>>
    %dma_start3A_203 = tpu.memref_squeeze %dma_start3A_202 : memref<1x128xi32, #tpu.memory_space<vmem>> -> memref<128xi32, #tpu.memory_space<vmem>>
    %dma_start3A_204 = arith.constant 0 : i32
    %dma_start3A_205 = arith.constant 0 : i32
    %dma_start3A_206 = tpu.memref_slice %arg2[%dma_start3A_204, %dma_start3A_205] : memref<10000x32xf32, #tpu.memory_space<hbm>> -> memref<10000x32xf32, #tpu.memory_space<hbm>>
    tpu.enqueue_indirect_dma source(%dma_start3A_206 : memref<10000x32xf32, #tpu.memory_space<hbm>>) target(%dma_start3A_200 : memref<128x32xf32, #tpu.memory_space<vmem>>) offsets(%dma_start3A_203 : memref<128xi32, #tpu.memory_space<vmem>>) semaphore(%arg11 : memref<!tpu.dma_semaphore, #tpu.memory_space<semaphore_mem>>)
    %dma_start3A_207 = arith.constant 20 : i32
    %dma_start3A_208 = arith.constant 2560 : i32
    %dma_start3A_209 = arith.constant 0 : i32
    %dma_start3A_210 = tpu.memref_slice %arg7[%dma_start3A_208, %dma_start3A_209] : memref<3200x32xf32, #tpu.memory_space<vmem>> -> memref<128x32xf32, #tpu.memory_space<vmem>>
    %dma_start3A_211 = arith.constant 0 : i32
    %dma_start3A_212 = tpu.memref_slice %arg6[%dma_start3A_207, %dma_start3A_211] : memref<25x128xi32, #tpu.memory_space<vmem>> -> memref<1x128xi32, #tpu.memory_space<vmem>>
    %dma_start3A_213 = tpu.memref_squeeze %dma_start3A_212 : memref<1x128xi32, #tpu.memory_space<vmem>> -> memref<128xi32, #tpu.memory_space<vmem>>
    %dma_start3A_214 = arith.constant 0 : i32
    %dma_start3A_215 = arith.constant 0 : i32
    %dma_start3A_216 = tpu.memref_slice %arg2[%dma_start3A_214, %dma_start3A_215] : memref<10000x32xf32, #tpu.memory_space<hbm>> -> memref<10000x32xf32, #tpu.memory_space<hbm>>
    tpu.enqueue_indirect_dma source(%dma_start3A_216 : memref<10000x32xf32, #tpu.memory_space<hbm>>) target(%dma_start3A_210 : memref<128x32xf32, #tpu.memory_space<vmem>>) offsets(%dma_start3A_213 : memref<128xi32, #tpu.memory_space<vmem>>) semaphore(%arg12 : memref<!tpu.dma_semaphore, #tpu.memory_space<semaphore_mem>>)
    %dma_start3A_217 = arith.constant 21 : i32
    %dma_start3A_218 = arith.constant 2688 : i32
    %dma_start3A_219 = arith.constant 0 : i32
    %dma_start3A_220 = tpu.memref_slice %arg7[%dma_start3A_218, %dma_start3A_219] : memref<3200x32xf32, #tpu.memory_space<vmem>> -> memref<128x32xf32, #tpu.memory_space<vmem>>
    %dma_start3A_221 = arith.constant 0 : i32
    %dma_start3A_222 = tpu.memref_slice %arg6[%dma_start3A_217, %dma_start3A_221] : memref<25x128xi32, #tpu.memory_space<vmem>> -> memref<1x128xi32, #tpu.memory_space<vmem>>
    %dma_start3A_223 = tpu.memref_squeeze %dma_start3A_222 : memref<1x128xi32, #tpu.memory_space<vmem>> -> memref<128xi32, #tpu.memory_space<vmem>>
    %dma_start3A_224 = arith.constant 0 : i32
    %dma_start3A_225 = arith.constant 0 : i32
    %dma_start3A_226 = tpu.memref_slice %arg2[%dma_start3A_224, %dma_start3A_225] : memref<10000x32xf32, #tpu.memory_space<hbm>> -> memref<10000x32xf32, #tpu.memory_space<hbm>>
    tpu.enqueue_indirect_dma source(%dma_start3A_226 : memref<10000x32xf32, #tpu.memory_space<hbm>>) target(%dma_start3A_220 : memref<128x32xf32, #tpu.memory_space<vmem>>) offsets(%dma_start3A_223 : memref<128xi32, #tpu.memory_space<vmem>>) semaphore(%arg12 : memref<!tpu.dma_semaphore, #tpu.memory_space<semaphore_mem>>)
    %dma_start3A_227 = arith.constant 22 : i32
    %dma_start3A_228 = arith.constant 2816 : i32
    %dma_start3A_229 = arith.constant 0 : i32
    %dma_start3A_230 = tpu.memref_slice %arg7[%dma_start3A_228, %dma_start3A_229] : memref<3200x32xf32, #tpu.memory_space<vmem>> -> memref<128x32xf32, #tpu.memory_space<vmem>>
    %dma_start3A_231 = arith.constant 0 : i32
    %dma_start3A_232 = tpu.memref_slice %arg6[%dma_start3A_227, %dma_start3A_231] : memref<25x128xi32, #tpu.memory_space<vmem>> -> memref<1x128xi32, #tpu.memory_space<vmem>>
    %dma_start3A_233 = tpu.memref_squeeze %dma_start3A_232 : memref<1x128xi32, #tpu.memory_space<vmem>> -> memref<128xi32, #tpu.memory_space<vmem>>
    %dma_start3A_234 = arith.constant 0 : i32
    %dma_start3A_235 = arith.constant 0 : i32
    %dma_start3A_236 = tpu.memref_slice %arg2[%dma_start3A_234, %dma_start3A_235] : memref<10000x32xf32, #tpu.memory_space<hbm>> -> memref<10000x32xf32, #tpu.memory_space<hbm>>
    tpu.enqueue_indirect_dma source(%dma_start3A_236 : memref<10000x32xf32, #tpu.memory_space<hbm>>) target(%dma_start3A_230 : memref<128x32xf32, #tpu.memory_space<vmem>>) offsets(%dma_start3A_233 : memref<128xi32, #tpu.memory_space<vmem>>) semaphore(%arg12 : memref<!tpu.dma_semaphore, #tpu.memory_space<semaphore_mem>>)
    %dma_start3A_237 = arith.constant 23 : i32
    %dma_start3A_238 = arith.constant 2944 : i32
    %dma_start3A_239 = arith.constant 0 : i32
    %dma_start3A_240 = tpu.memref_slice %arg7[%dma_start3A_238, %dma_start3A_239] : memref<3200x32xf32, #tpu.memory_space<vmem>> -> memref<128x32xf32, #tpu.memory_space<vmem>>
    %dma_start3A_241 = arith.constant 0 : i32
    %dma_start3A_242 = tpu.memref_slice %arg6[%dma_start3A_237, %dma_start3A_241] : memref<25x128xi32, #tpu.memory_space<vmem>> -> memref<1x128xi32, #tpu.memory_space<vmem>>
    %dma_start3A_243 = tpu.memref_squeeze %dma_start3A_242 : memref<1x128xi32, #tpu.memory_space<vmem>> -> memref<128xi32, #tpu.memory_space<vmem>>
    %dma_start3A_244 = arith.constant 0 : i32
    %dma_start3A_245 = arith.constant 0 : i32
    %dma_start3A_246 = tpu.memref_slice %arg2[%dma_start3A_244, %dma_start3A_245] : memref<10000x32xf32, #tpu.memory_space<hbm>> -> memref<10000x32xf32, #tpu.memory_space<hbm>>
    tpu.enqueue_indirect_dma source(%dma_start3A_246 : memref<10000x32xf32, #tpu.memory_space<hbm>>) target(%dma_start3A_240 : memref<128x32xf32, #tpu.memory_space<vmem>>) offsets(%dma_start3A_243 : memref<128xi32, #tpu.memory_space<vmem>>) semaphore(%arg12 : memref<!tpu.dma_semaphore, #tpu.memory_space<semaphore_mem>>)
    %dma_start3A_247 = arith.constant 24 : i32
    %dma_start3A_248 = arith.constant 3072 : i32
    %dma_start3A_249 = arith.constant 0 : i32
    %dma_start3A_250 = tpu.memref_slice %arg7[%dma_start3A_248, %dma_start3A_249] : memref<3200x32xf32, #tpu.memory_space<vmem>> -> memref<128x32xf32, #tpu.memory_space<vmem>>
    %dma_start3A_251 = arith.constant 0 : i32
    %dma_start3A_252 = tpu.memref_slice %arg6[%dma_start3A_247, %dma_start3A_251] : memref<25x128xi32, #tpu.memory_space<vmem>> -> memref<1x128xi32, #tpu.memory_space<vmem>>
    %dma_start3A_253 = tpu.memref_squeeze %dma_start3A_252 : memref<1x128xi32, #tpu.memory_space<vmem>> -> memref<128xi32, #tpu.memory_space<vmem>>
    %dma_start3A_254 = arith.constant 0 : i32
    %dma_start3A_255 = arith.constant 0 : i32
    %dma_start3A_256 = tpu.memref_slice %arg2[%dma_start3A_254, %dma_start3A_255] : memref<10000x32xf32, #tpu.memory_space<hbm>> -> memref<10000x32xf32, #tpu.memory_space<hbm>>
    tpu.enqueue_indirect_dma source(%dma_start3A_256 : memref<10000x32xf32, #tpu.memory_space<hbm>>) target(%dma_start3A_250 : memref<128x32xf32, #tpu.memory_space<vmem>>) offsets(%dma_start3A_253 : memref<128xi32, #tpu.memory_space<vmem>>) semaphore(%arg12 : memref<!tpu.dma_semaphore, #tpu.memory_space<semaphore_mem>>)
    %dma_wait3A = arith.constant 0 : i32
    %dma_wait3A_257 = arith.constant 0 : i32
    %dma_wait3A_258 = arith.constant 0 : i32
    %dma_wait3A_259 = tpu.memref_slice %arg7[%dma_wait3A_257, %dma_wait3A_258] : memref<3200x32xf32, #tpu.memory_space<vmem>> -> memref<128x32xf32, #tpu.memory_space<vmem>>
    %dma_wait3A_260 = arith.constant 0 : i32
    %dma_wait3A_261 = tpu.memref_slice %arg6[%dma_wait3A, %dma_wait3A_260] : memref<25x128xi32, #tpu.memory_space<vmem>> -> memref<1x128xi32, #tpu.memory_space<vmem>>
    %dma_wait3A_262 = tpu.memref_squeeze %dma_wait3A_261 : memref<1x128xi32, #tpu.memory_space<vmem>> -> memref<128xi32, #tpu.memory_space<vmem>>
    %dma_wait3A_263 = arith.constant 0 : i32
    %dma_wait3A_264 = arith.constant 0 : i32
    %dma_wait3A_265 = tpu.memref_slice %arg2[%dma_wait3A_263, %dma_wait3A_264] : memref<10000x32xf32, #tpu.memory_space<hbm>> -> memref<10000x32xf32, #tpu.memory_space<hbm>>
    tpu.wait_indirect_dma semaphore(%arg8 : memref<!tpu.dma_semaphore, #tpu.memory_space<semaphore_mem>>) src(%dma_wait3A_265 : memref<10000x32xf32, #tpu.memory_space<hbm>>) dst(%dma_wait3A_259 : memref<128x32xf32, #tpu.memory_space<vmem>>)
    %dma_wait3A_266 = arith.constant 1 : i32
    %dma_wait3A_267 = arith.constant 128 : i32
    %dma_wait3A_268 = arith.constant 0 : i32
    %dma_wait3A_269 = tpu.memref_slice %arg7[%dma_wait3A_267, %dma_wait3A_268] : memref<3200x32xf32, #tpu.memory_space<vmem>> -> memref<128x32xf32, #tpu.memory_space<vmem>>
    %dma_wait3A_270 = arith.constant 0 : i32
    %dma_wait3A_271 = tpu.memref_slice %arg6[%dma_wait3A_266, %dma_wait3A_270] : memref<25x128xi32, #tpu.memory_space<vmem>> -> memref<1x128xi32, #tpu.memory_space<vmem>>
    %dma_wait3A_272 = tpu.memref_squeeze %dma_wait3A_271 : memref<1x128xi32, #tpu.memory_space<vmem>> -> memref<128xi32, #tpu.memory_space<vmem>>
    %dma_wait3A_273 = arith.constant 0 : i32
    %dma_wait3A_274 = arith.constant 0 : i32
    %dma_wait3A_275 = tpu.memref_slice %arg2[%dma_wait3A_273, %dma_wait3A_274] : memref<10000x32xf32, #tpu.memory_space<hbm>> -> memref<10000x32xf32, #tpu.memory_space<hbm>>
    tpu.wait_indirect_dma semaphore(%arg8 : memref<!tpu.dma_semaphore, #tpu.memory_space<semaphore_mem>>) src(%dma_wait3A_275 : memref<10000x32xf32, #tpu.memory_space<hbm>>) dst(%dma_wait3A_269 : memref<128x32xf32, #tpu.memory_space<vmem>>)
    %dma_wait3A_276 = arith.constant 2 : i32
    %dma_wait3A_277 = arith.constant 256 : i32
    %dma_wait3A_278 = arith.constant 0 : i32
    %dma_wait3A_279 = tpu.memref_slice %arg7[%dma_wait3A_277, %dma_wait3A_278] : memref<3200x32xf32, #tpu.memory_space<vmem>> -> memref<128x32xf32, #tpu.memory_space<vmem>>
    %dma_wait3A_280 = arith.constant 0 : i32
    %dma_wait3A_281 = tpu.memref_slice %arg6[%dma_wait3A_276, %dma_wait3A_280] : memref<25x128xi32, #tpu.memory_space<vmem>> -> memref<1x128xi32, #tpu.memory_space<vmem>>
    %dma_wait3A_282 = tpu.memref_squeeze %dma_wait3A_281 : memref<1x128xi32, #tpu.memory_space<vmem>> -> memref<128xi32, #tpu.memory_space<vmem>>
    %dma_wait3A_283 = arith.constant 0 : i32
    %dma_wait3A_284 = arith.constant 0 : i32
    %dma_wait3A_285 = tpu.memref_slice %arg2[%dma_wait3A_283, %dma_wait3A_284] : memref<10000x32xf32, #tpu.memory_space<hbm>> -> memref<10000x32xf32, #tpu.memory_space<hbm>>
    tpu.wait_indirect_dma semaphore(%arg8 : memref<!tpu.dma_semaphore, #tpu.memory_space<semaphore_mem>>) src(%dma_wait3A_285 : memref<10000x32xf32, #tpu.memory_space<hbm>>) dst(%dma_wait3A_279 : memref<128x32xf32, #tpu.memory_space<vmem>>)
    %dma_wait3A_286 = arith.constant 3 : i32
    %dma_wait3A_287 = arith.constant 384 : i32
    %dma_wait3A_288 = arith.constant 0 : i32
    %dma_wait3A_289 = tpu.memref_slice %arg7[%dma_wait3A_287, %dma_wait3A_288] : memref<3200x32xf32, #tpu.memory_space<vmem>> -> memref<128x32xf32, #tpu.memory_space<vmem>>
    %dma_wait3A_290 = arith.constant 0 : i32
    %dma_wait3A_291 = tpu.memref_slice %arg6[%dma_wait3A_286, %dma_wait3A_290] : memref<25x128xi32, #tpu.memory_space<vmem>> -> memref<1x128xi32, #tpu.memory_space<vmem>>
    %dma_wait3A_292 = tpu.memref_squeeze %dma_wait3A_291 : memref<1x128xi32, #tpu.memory_space<vmem>> -> memref<128xi32, #tpu.memory_space<vmem>>
    %dma_wait3A_293 = arith.constant 0 : i32
    %dma_wait3A_294 = arith.constant 0 : i32
    %dma_wait3A_295 = tpu.memref_slice %arg2[%dma_wait3A_293, %dma_wait3A_294] : memref<10000x32xf32, #tpu.memory_space<hbm>> -> memref<10000x32xf32, #tpu.memory_space<hbm>>
    tpu.wait_indirect_dma semaphore(%arg8 : memref<!tpu.dma_semaphore, #tpu.memory_space<semaphore_mem>>) src(%dma_wait3A_295 : memref<10000x32xf32, #tpu.memory_space<hbm>>) dst(%dma_wait3A_289 : memref<128x32xf32, #tpu.memory_space<vmem>>)
    %dma_wait3A_296 = arith.constant 4 : i32
    %dma_wait3A_297 = arith.constant 512 : i32
    %dma_wait3A_298 = arith.constant 0 : i32
    %dma_wait3A_299 = tpu.memref_slice %arg7[%dma_wait3A_297, %dma_wait3A_298] : memref<3200x32xf32, #tpu.memory_space<vmem>> -> memref<128x32xf32, #tpu.memory_space<vmem>>
    %dma_wait3A_300 = arith.constant 0 : i32
    %dma_wait3A_301 = tpu.memref_slice %arg6[%dma_wait3A_296, %dma_wait3A_300] : memref<25x128xi32, #tpu.memory_space<vmem>> -> memref<1x128xi32, #tpu.memory_space<vmem>>
    %dma_wait3A_302 = tpu.memref_squeeze %dma_wait3A_301 : memref<1x128xi32, #tpu.memory_space<vmem>> -> memref<128xi32, #tpu.memory_space<vmem>>
    %dma_wait3A_303 = arith.constant 0 : i32
    %dma_wait3A_304 = arith.constant 0 : i32
    %dma_wait3A_305 = tpu.memref_slice %arg2[%dma_wait3A_303, %dma_wait3A_304] : memref<10000x32xf32, #tpu.memory_space<hbm>> -> memref<10000x32xf32, #tpu.memory_space<hbm>>
    tpu.wait_indirect_dma semaphore(%arg8 : memref<!tpu.dma_semaphore, #tpu.memory_space<semaphore_mem>>) src(%dma_wait3A_305 : memref<10000x32xf32, #tpu.memory_space<hbm>>) dst(%dma_wait3A_299 : memref<128x32xf32, #tpu.memory_space<vmem>>)
    %add3A_306 = arith.constant 0 : i32
    %add3A_307 = arith.addi %mul3A_2, %add3A_306 : i32
    %dma_start3A_308 = arith.constant 0 : i32
    %dma_start3A_309 = arith.constant 0 : i32
    %dma_start3A_310 = tpu.memref_slice %arg7[%dma_start3A_308, %dma_start3A_309] : memref<3200x32xf32, #tpu.memory_space<vmem>> -> memref<640x32xf32, #tpu.memory_space<vmem>>
    %dma_start3A_311 = arith.constant 0 : i32
    %dma_start3A_312 = tpu.memref_slice %arg4[%add3A_307, %dma_start3A_311] : memref<102400x32xf32, #tpu.memory_space<hbm>> -> memref<640x32xf32, #tpu.memory_space<hbm>>
    %dma_start3A_313 = arith.constant 0 : i32
    %dma_start3A_314 = tpu.memref_slice %arg4[%add3A_307, %dma_start3A_313] : memref<102400x32xf32, #tpu.memory_space<hbm>> -> memref<640x32xf32, #tpu.memory_space<hbm>>
    %dma_start3A_315 = arith.constant 0 : i32
    %dma_start3A_316 = arith.constant 0 : i32
    %dma_start3A_317 = tpu.memref_slice %arg7[%dma_start3A_315, %dma_start3A_316] : memref<3200x32xf32, #tpu.memory_space<vmem>> -> memref<640x32xf32, #tpu.memory_space<vmem>>
    tpu.enqueue_dma source(%dma_start3A_317 : memref<640x32xf32, #tpu.memory_space<vmem>>) target(%dma_start3A_314 : memref<640x32xf32, #tpu.memory_space<hbm>>) target_semaphore(%arg13 : memref<!tpu.dma_semaphore, #tpu.memory_space<semaphore_mem>>)
    %dma_wait3A_318 = arith.constant 5 : i32
    %dma_wait3A_319 = arith.constant 640 : i32
    %dma_wait3A_320 = arith.constant 0 : i32
    %dma_wait3A_321 = tpu.memref_slice %arg7[%dma_wait3A_319, %dma_wait3A_320] : memref<3200x32xf32, #tpu.memory_space<vmem>> -> memref<128x32xf32, #tpu.memory_space<vmem>>
    %dma_wait3A_322 = arith.constant 0 : i32
    %dma_wait3A_323 = tpu.memref_slice %arg6[%dma_wait3A_318, %dma_wait3A_322] : memref<25x128xi32, #tpu.memory_space<vmem>> -> memref<1x128xi32, #tpu.memory_space<vmem>>
    %dma_wait3A_324 = tpu.memref_squeeze %dma_wait3A_323 : memref<1x128xi32, #tpu.memory_space<vmem>> -> memref<128xi32, #tpu.memory_space<vmem>>
    %dma_wait3A_325 = arith.constant 0 : i32
    %dma_wait3A_326 = arith.constant 0 : i32
    %dma_wait3A_327 = tpu.memref_slice %arg2[%dma_wait3A_325, %dma_wait3A_326] : memref<10000x32xf32, #tpu.memory_space<hbm>> -> memref<10000x32xf32, #tpu.memory_space<hbm>>
    tpu.wait_indirect_dma semaphore(%arg9 : memref<!tpu.dma_semaphore, #tpu.memory_space<semaphore_mem>>) src(%dma_wait3A_327 : memref<10000x32xf32, #tpu.memory_space<hbm>>) dst(%dma_wait3A_321 : memref<128x32xf32, #tpu.memory_space<vmem>>)
    %dma_wait3A_328 = arith.constant 6 : i32
    %dma_wait3A_329 = arith.constant 768 : i32
    %dma_wait3A_330 = arith.constant 0 : i32
    %dma_wait3A_331 = tpu.memref_slice %arg7[%dma_wait3A_329, %dma_wait3A_330] : memref<3200x32xf32, #tpu.memory_space<vmem>> -> memref<128x32xf32, #tpu.memory_space<vmem>>
    %dma_wait3A_332 = arith.constant 0 : i32
    %dma_wait3A_333 = tpu.memref_slice %arg6[%dma_wait3A_328, %dma_wait3A_332] : memref<25x128xi32, #tpu.memory_space<vmem>> -> memref<1x128xi32, #tpu.memory_space<vmem>>
    %dma_wait3A_334 = tpu.memref_squeeze %dma_wait3A_333 : memref<1x128xi32, #tpu.memory_space<vmem>> -> memref<128xi32, #tpu.memory_space<vmem>>
    %dma_wait3A_335 = arith.constant 0 : i32
    %dma_wait3A_336 = arith.constant 0 : i32
    %dma_wait3A_337 = tpu.memref_slice %arg2[%dma_wait3A_335, %dma_wait3A_336] : memref<10000x32xf32, #tpu.memory_space<hbm>> -> memref<10000x32xf32, #tpu.memory_space<hbm>>
    tpu.wait_indirect_dma semaphore(%arg9 : memref<!tpu.dma_semaphore, #tpu.memory_space<semaphore_mem>>) src(%dma_wait3A_337 : memref<10000x32xf32, #tpu.memory_space<hbm>>) dst(%dma_wait3A_331 : memref<128x32xf32, #tpu.memory_space<vmem>>)
    %dma_wait3A_338 = arith.constant 7 : i32
    %dma_wait3A_339 = arith.constant 896 : i32
    %dma_wait3A_340 = arith.constant 0 : i32
    %dma_wait3A_341 = tpu.memref_slice %arg7[%dma_wait3A_339, %dma_wait3A_340] : memref<3200x32xf32, #tpu.memory_space<vmem>> -> memref<128x32xf32, #tpu.memory_space<vmem>>
    %dma_wait3A_342 = arith.constant 0 : i32
    %dma_wait3A_343 = tpu.memref_slice %arg6[%dma_wait3A_338, %dma_wait3A_342] : memref<25x128xi32, #tpu.memory_space<vmem>> -> memref<1x128xi32, #tpu.memory_space<vmem>>
    %dma_wait3A_344 = tpu.memref_squeeze %dma_wait3A_343 : memref<1x128xi32, #tpu.memory_space<vmem>> -> memref<128xi32, #tpu.memory_space<vmem>>
    %dma_wait3A_345 = arith.constant 0 : i32
    %dma_wait3A_346 = arith.constant 0 : i32
    %dma_wait3A_347 = tpu.memref_slice %arg2[%dma_wait3A_345, %dma_wait3A_346] : memref<10000x32xf32, #tpu.memory_space<hbm>> -> memref<10000x32xf32, #tpu.memory_space<hbm>>
    tpu.wait_indirect_dma semaphore(%arg9 : memref<!tpu.dma_semaphore, #tpu.memory_space<semaphore_mem>>) src(%dma_wait3A_347 : memref<10000x32xf32, #tpu.memory_space<hbm>>) dst(%dma_wait3A_341 : memref<128x32xf32, #tpu.memory_space<vmem>>)
    %dma_wait3A_348 = arith.constant 8 : i32
    %dma_wait3A_349 = arith.constant 1024 : i32
    %dma_wait3A_350 = arith.constant 0 : i32
    %dma_wait3A_351 = tpu.memref_slice %arg7[%dma_wait3A_349, %dma_wait3A_350] : memref<3200x32xf32, #tpu.memory_space<vmem>> -> memref<128x32xf32, #tpu.memory_space<vmem>>
    %dma_wait3A_352 = arith.constant 0 : i32
    %dma_wait3A_353 = tpu.memref_slice %arg6[%dma_wait3A_348, %dma_wait3A_352] : memref<25x128xi32, #tpu.memory_space<vmem>> -> memref<1x128xi32, #tpu.memory_space<vmem>>
    %dma_wait3A_354 = tpu.memref_squeeze %dma_wait3A_353 : memref<1x128xi32, #tpu.memory_space<vmem>> -> memref<128xi32, #tpu.memory_space<vmem>>
    %dma_wait3A_355 = arith.constant 0 : i32
    %dma_wait3A_356 = arith.constant 0 : i32
    %dma_wait3A_357 = tpu.memref_slice %arg2[%dma_wait3A_355, %dma_wait3A_356] : memref<10000x32xf32, #tpu.memory_space<hbm>> -> memref<10000x32xf32, #tpu.memory_space<hbm>>
    tpu.wait_indirect_dma semaphore(%arg9 : memref<!tpu.dma_semaphore, #tpu.memory_space<semaphore_mem>>) src(%dma_wait3A_357 : memref<10000x32xf32, #tpu.memory_space<hbm>>) dst(%dma_wait3A_351 : memref<128x32xf32, #tpu.memory_space<vmem>>)
    %dma_wait3A_358 = arith.constant 9 : i32
    %dma_wait3A_359 = arith.constant 1152 : i32
    %dma_wait3A_360 = arith.constant 0 : i32
    %dma_wait3A_361 = tpu.memref_slice %arg7[%dma_wait3A_359, %dma_wait3A_360] : memref<3200x32xf32, #tpu.memory_space<vmem>> -> memref<128x32xf32, #tpu.memory_space<vmem>>
    %dma_wait3A_362 = arith.constant 0 : i32
    %dma_wait3A_363 = tpu.memref_slice %arg6[%dma_wait3A_358, %dma_wait3A_362] : memref<25x128xi32, #tpu.memory_space<vmem>> -> memref<1x128xi32, #tpu.memory_space<vmem>>
    %dma_wait3A_364 = tpu.memref_squeeze %dma_wait3A_363 : memref<1x128xi32, #tpu.memory_space<vmem>> -> memref<128xi32, #tpu.memory_space<vmem>>
    %dma_wait3A_365 = arith.constant 0 : i32
    %dma_wait3A_366 = arith.constant 0 : i32
    %dma_wait3A_367 = tpu.memref_slice %arg2[%dma_wait3A_365, %dma_wait3A_366] : memref<10000x32xf32, #tpu.memory_space<hbm>> -> memref<10000x32xf32, #tpu.memory_space<hbm>>
    tpu.wait_indirect_dma semaphore(%arg9 : memref<!tpu.dma_semaphore, #tpu.memory_space<semaphore_mem>>) src(%dma_wait3A_367 : memref<10000x32xf32, #tpu.memory_space<hbm>>) dst(%dma_wait3A_361 : memref<128x32xf32, #tpu.memory_space<vmem>>)
    %add3A_368 = arith.constant 640 : i32
    %add3A_369 = arith.addi %mul3A_2, %add3A_368 : i32
    %dma_start3A_370 = arith.constant 640 : i32
    %dma_start3A_371 = arith.constant 0 : i32
    %dma_start3A_372 = tpu.memref_slice %arg7[%dma_start3A_370, %dma_start3A_371] : memref<3200x32xf32, #tpu.memory_space<vmem>> -> memref<640x32xf32, #tpu.memory_space<vmem>>
    %dma_start3A_373 = arith.constant 0 : i32
    %dma_start3A_374 = tpu.memref_slice %arg4[%add3A_369, %dma_start3A_373] : memref<102400x32xf32, #tpu.memory_space<hbm>> -> memref<640x32xf32, #tpu.memory_space<hbm>>
    %dma_start3A_375 = arith.constant 0 : i32
    %dma_start3A_376 = tpu.memref_slice %arg4[%add3A_369, %dma_start3A_375] : memref<102400x32xf32, #tpu.memory_space<hbm>> -> memref<640x32xf32, #tpu.memory_space<hbm>>
    %dma_start3A_377 = arith.constant 640 : i32
    %dma_start3A_378 = arith.constant 0 : i32
    %dma_start3A_379 = tpu.memref_slice %arg7[%dma_start3A_377, %dma_start3A_378] : memref<3200x32xf32, #tpu.memory_space<vmem>> -> memref<640x32xf32, #tpu.memory_space<vmem>>
    tpu.enqueue_dma source(%dma_start3A_379 : memref<640x32xf32, #tpu.memory_space<vmem>>) target(%dma_start3A_376 : memref<640x32xf32, #tpu.memory_space<hbm>>) target_semaphore(%arg13 : memref<!tpu.dma_semaphore, #tpu.memory_space<semaphore_mem>>)
    %dma_wait3A_380 = arith.constant 10 : i32
    %dma_wait3A_381 = arith.constant 1280 : i32
    %dma_wait3A_382 = arith.constant 0 : i32
    %dma_wait3A_383 = tpu.memref_slice %arg7[%dma_wait3A_381, %dma_wait3A_382] : memref<3200x32xf32, #tpu.memory_space<vmem>> -> memref<128x32xf32, #tpu.memory_space<vmem>>
    %dma_wait3A_384 = arith.constant 0 : i32
    %dma_wait3A_385 = tpu.memref_slice %arg6[%dma_wait3A_380, %dma_wait3A_384] : memref<25x128xi32, #tpu.memory_space<vmem>> -> memref<1x128xi32, #tpu.memory_space<vmem>>
    %dma_wait3A_386 = tpu.memref_squeeze %dma_wait3A_385 : memref<1x128xi32, #tpu.memory_space<vmem>> -> memref<128xi32, #tpu.memory_space<vmem>>
    %dma_wait3A_387 = arith.constant 0 : i32
    %dma_wait3A_388 = arith.constant 0 : i32
    %dma_wait3A_389 = tpu.memref_slice %arg2[%dma_wait3A_387, %dma_wait3A_388] : memref<10000x32xf32, #tpu.memory_space<hbm>> -> memref<10000x32xf32, #tpu.memory_space<hbm>>
    tpu.wait_indirect_dma semaphore(%arg10 : memref<!tpu.dma_semaphore, #tpu.memory_space<semaphore_mem>>) src(%dma_wait3A_389 : memref<10000x32xf32, #tpu.memory_space<hbm>>) dst(%dma_wait3A_383 : memref<128x32xf32, #tpu.memory_space<vmem>>)
    %dma_wait3A_390 = arith.constant 11 : i32
    %dma_wait3A_391 = arith.constant 1408 : i32
    %dma_wait3A_392 = arith.constant 0 : i32
    %dma_wait3A_393 = tpu.memref_slice %arg7[%dma_wait3A_391, %dma_wait3A_392] : memref<3200x32xf32, #tpu.memory_space<vmem>> -> memref<128x32xf32, #tpu.memory_space<vmem>>
    %dma_wait3A_394 = arith.constant 0 : i32
    %dma_wait3A_395 = tpu.memref_slice %arg6[%dma_wait3A_390, %dma_wait3A_394] : memref<25x128xi32, #tpu.memory_space<vmem>> -> memref<1x128xi32, #tpu.memory_space<vmem>>
    %dma_wait3A_396 = tpu.memref_squeeze %dma_wait3A_395 : memref<1x128xi32, #tpu.memory_space<vmem>> -> memref<128xi32, #tpu.memory_space<vmem>>
    %dma_wait3A_397 = arith.constant 0 : i32
    %dma_wait3A_398 = arith.constant 0 : i32
    %dma_wait3A_399 = tpu.memref_slice %arg2[%dma_wait3A_397, %dma_wait3A_398] : memref<10000x32xf32, #tpu.memory_space<hbm>> -> memref<10000x32xf32, #tpu.memory_space<hbm>>
    tpu.wait_indirect_dma semaphore(%arg10 : memref<!tpu.dma_semaphore, #tpu.memory_space<semaphore_mem>>) src(%dma_wait3A_399 : memref<10000x32xf32, #tpu.memory_space<hbm>>) dst(%dma_wait3A_393 : memref<128x32xf32, #tpu.memory_space<vmem>>)
    %dma_wait3A_400 = arith.constant 12 : i32
    %dma_wait3A_401 = arith.constant 1536 : i32
    %dma_wait3A_402 = arith.constant 0 : i32
    %dma_wait3A_403 = tpu.memref_slice %arg7[%dma_wait3A_401, %dma_wait3A_402] : memref<3200x32xf32, #tpu.memory_space<vmem>> -> memref<128x32xf32, #tpu.memory_space<vmem>>
    %dma_wait3A_404 = arith.constant 0 : i32
    %dma_wait3A_405 = tpu.memref_slice %arg6[%dma_wait3A_400, %dma_wait3A_404] : memref<25x128xi32, #tpu.memory_space<vmem>> -> memref<1x128xi32, #tpu.memory_space<vmem>>
    %dma_wait3A_406 = tpu.memref_squeeze %dma_wait3A_405 : memref<1x128xi32, #tpu.memory_space<vmem>> -> memref<128xi32, #tpu.memory_space<vmem>>
    %dma_wait3A_407 = arith.constant 0 : i32
    %dma_wait3A_408 = arith.constant 0 : i32
    %dma_wait3A_409 = tpu.memref_slice %arg2[%dma_wait3A_407, %dma_wait3A_408] : memref<10000x32xf32, #tpu.memory_space<hbm>> -> memref<10000x32xf32, #tpu.memory_space<hbm>>
    tpu.wait_indirect_dma semaphore(%arg10 : memref<!tpu.dma_semaphore, #tpu.memory_space<semaphore_mem>>) src(%dma_wait3A_409 : memref<10000x32xf32, #tpu.memory_space<hbm>>) dst(%dma_wait3A_403 : memref<128x32xf32, #tpu.memory_space<vmem>>)
    %dma_wait3A_410 = arith.constant 13 : i32
    %dma_wait3A_411 = arith.constant 1664 : i32
    %dma_wait3A_412 = arith.constant 0 : i32
    %dma_wait3A_413 = tpu.memref_slice %arg7[%dma_wait3A_411, %dma_wait3A_412] : memref<3200x32xf32, #tpu.memory_space<vmem>> -> memref<128x32xf32, #tpu.memory_space<vmem>>
    %dma_wait3A_414 = arith.constant 0 : i32
    %dma_wait3A_415 = tpu.memref_slice %arg6[%dma_wait3A_410, %dma_wait3A_414] : memref<25x128xi32, #tpu.memory_space<vmem>> -> memref<1x128xi32, #tpu.memory_space<vmem>>
    %dma_wait3A_416 = tpu.memref_squeeze %dma_wait3A_415 : memref<1x128xi32, #tpu.memory_space<vmem>> -> memref<128xi32, #tpu.memory_space<vmem>>
    %dma_wait3A_417 = arith.constant 0 : i32
    %dma_wait3A_418 = arith.constant 0 : i32
    %dma_wait3A_419 = tpu.memref_slice %arg2[%dma_wait3A_417, %dma_wait3A_418] : memref<10000x32xf32, #tpu.memory_space<hbm>> -> memref<10000x32xf32, #tpu.memory_space<hbm>>
    tpu.wait_indirect_dma semaphore(%arg10 : memref<!tpu.dma_semaphore, #tpu.memory_space<semaphore_mem>>) src(%dma_wait3A_419 : memref<10000x32xf32, #tpu.memory_space<hbm>>) dst(%dma_wait3A_413 : memref<128x32xf32, #tpu.memory_space<vmem>>)
    %dma_wait3A_420 = arith.constant 14 : i32
    %dma_wait3A_421 = arith.constant 1792 : i32
    %dma_wait3A_422 = arith.constant 0 : i32
    %dma_wait3A_423 = tpu.memref_slice %arg7[%dma_wait3A_421, %dma_wait3A_422] : memref<3200x32xf32, #tpu.memory_space<vmem>> -> memref<128x32xf32, #tpu.memory_space<vmem>>
    %dma_wait3A_424 = arith.constant 0 : i32
    %dma_wait3A_425 = tpu.memref_slice %arg6[%dma_wait3A_420, %dma_wait3A_424] : memref<25x128xi32, #tpu.memory_space<vmem>> -> memref<1x128xi32, #tpu.memory_space<vmem>>
    %dma_wait3A_426 = tpu.memref_squeeze %dma_wait3A_425 : memref<1x128xi32, #tpu.memory_space<vmem>> -> memref<128xi32, #tpu.memory_space<vmem>>
    %dma_wait3A_427 = arith.constant 0 : i32
    %dma_wait3A_428 = arith.constant 0 : i32
    %dma_wait3A_429 = tpu.memref_slice %arg2[%dma_wait3A_427, %dma_wait3A_428] : memref<10000x32xf32, #tpu.memory_space<hbm>> -> memref<10000x32xf32, #tpu.memory_space<hbm>>
    tpu.wait_indirect_dma semaphore(%arg10 : memref<!tpu.dma_semaphore, #tpu.memory_space<semaphore_mem>>) src(%dma_wait3A_429 : memref<10000x32xf32, #tpu.memory_space<hbm>>) dst(%dma_wait3A_423 : memref<128x32xf32, #tpu.memory_space<vmem>>)
    %add3A_430 = arith.constant 1280 : i32
    %add3A_431 = arith.addi %mul3A_2, %add3A_430 : i32
    %dma_start3A_432 = arith.constant 1280 : i32
    %dma_start3A_433 = arith.constant 0 : i32
    %dma_start3A_434 = tpu.memref_slice %arg7[%dma_start3A_432, %dma_start3A_433] : memref<3200x32xf32, #tpu.memory_space<vmem>> -> memref<640x32xf32, #tpu.memory_space<vmem>>
    %dma_start3A_435 = arith.constant 0 : i32
    %dma_start3A_436 = tpu.memref_slice %arg4[%add3A_431, %dma_start3A_435] : memref<102400x32xf32, #tpu.memory_space<hbm>> -> memref<640x32xf32, #tpu.memory_space<hbm>>
    %dma_start3A_437 = arith.constant 0 : i32
    %dma_start3A_438 = tpu.memref_slice %arg4[%add3A_431, %dma_start3A_437] : memref<102400x32xf32, #tpu.memory_space<hbm>> -> memref<640x32xf32, #tpu.memory_space<hbm>>
    %dma_start3A_439 = arith.constant 1280 : i32
    %dma_start3A_440 = arith.constant 0 : i32
    %dma_start3A_441 = tpu.memref_slice %arg7[%dma_start3A_439, %dma_start3A_440] : memref<3200x32xf32, #tpu.memory_space<vmem>> -> memref<640x32xf32, #tpu.memory_space<vmem>>
    tpu.enqueue_dma source(%dma_start3A_441 : memref<640x32xf32, #tpu.memory_space<vmem>>) target(%dma_start3A_438 : memref<640x32xf32, #tpu.memory_space<hbm>>) target_semaphore(%arg13 : memref<!tpu.dma_semaphore, #tpu.memory_space<semaphore_mem>>)
    %dma_wait3A_442 = arith.constant 15 : i32
    %dma_wait3A_443 = arith.constant 1920 : i32
    %dma_wait3A_444 = arith.constant 0 : i32
    %dma_wait3A_445 = tpu.memref_slice %arg7[%dma_wait3A_443, %dma_wait3A_444] : memref<3200x32xf32, #tpu.memory_space<vmem>> -> memref<128x32xf32, #tpu.memory_space<vmem>>
    %dma_wait3A_446 = arith.constant 0 : i32
    %dma_wait3A_447 = tpu.memref_slice %arg6[%dma_wait3A_442, %dma_wait3A_446] : memref<25x128xi32, #tpu.memory_space<vmem>> -> memref<1x128xi32, #tpu.memory_space<vmem>>
    %dma_wait3A_448 = tpu.memref_squeeze %dma_wait3A_447 : memref<1x128xi32, #tpu.memory_space<vmem>> -> memref<128xi32, #tpu.memory_space<vmem>>
    %dma_wait3A_449 = arith.constant 0 : i32
    %dma_wait3A_450 = arith.constant 0 : i32
    %dma_wait3A_451 = tpu.memref_slice %arg2[%dma_wait3A_449, %dma_wait3A_450] : memref<10000x32xf32, #tpu.memory_space<hbm>> -> memref<10000x32xf32, #tpu.memory_space<hbm>>
    tpu.wait_indirect_dma semaphore(%arg11 : memref<!tpu.dma_semaphore, #tpu.memory_space<semaphore_mem>>) src(%dma_wait3A_451 : memref<10000x32xf32, #tpu.memory_space<hbm>>) dst(%dma_wait3A_445 : memref<128x32xf32, #tpu.memory_space<vmem>>)
    %dma_wait3A_452 = arith.constant 16 : i32
    %dma_wait3A_453 = arith.constant 2048 : i32
    %dma_wait3A_454 = arith.constant 0 : i32
    %dma_wait3A_455 = tpu.memref_slice %arg7[%dma_wait3A_453, %dma_wait3A_454] : memref<3200x32xf32, #tpu.memory_space<vmem>> -> memref<128x32xf32, #tpu.memory_space<vmem>>
    %dma_wait3A_456 = arith.constant 0 : i32
    %dma_wait3A_457 = tpu.memref_slice %arg6[%dma_wait3A_452, %dma_wait3A_456] : memref<25x128xi32, #tpu.memory_space<vmem>> -> memref<1x128xi32, #tpu.memory_space<vmem>>
    %dma_wait3A_458 = tpu.memref_squeeze %dma_wait3A_457 : memref<1x128xi32, #tpu.memory_space<vmem>> -> memref<128xi32, #tpu.memory_space<vmem>>
    %dma_wait3A_459 = arith.constant 0 : i32
    %dma_wait3A_460 = arith.constant 0 : i32
    %dma_wait3A_461 = tpu.memref_slice %arg2[%dma_wait3A_459, %dma_wait3A_460] : memref<10000x32xf32, #tpu.memory_space<hbm>> -> memref<10000x32xf32, #tpu.memory_space<hbm>>
    tpu.wait_indirect_dma semaphore(%arg11 : memref<!tpu.dma_semaphore, #tpu.memory_space<semaphore_mem>>) src(%dma_wait3A_461 : memref<10000x32xf32, #tpu.memory_space<hbm>>) dst(%dma_wait3A_455 : memref<128x32xf32, #tpu.memory_space<vmem>>)
    %dma_wait3A_462 = arith.constant 17 : i32
    %dma_wait3A_463 = arith.constant 2176 : i32
    %dma_wait3A_464 = arith.constant 0 : i32
    %dma_wait3A_465 = tpu.memref_slice %arg7[%dma_wait3A_463, %dma_wait3A_464] : memref<3200x32xf32, #tpu.memory_space<vmem>> -> memref<128x32xf32, #tpu.memory_space<vmem>>
    %dma_wait3A_466 = arith.constant 0 : i32
    %dma_wait3A_467 = tpu.memref_slice %arg6[%dma_wait3A_462, %dma_wait3A_466] : memref<25x128xi32, #tpu.memory_space<vmem>> -> memref<1x128xi32, #tpu.memory_space<vmem>>
    %dma_wait3A_468 = tpu.memref_squeeze %dma_wait3A_467 : memref<1x128xi32, #tpu.memory_space<vmem>> -> memref<128xi32, #tpu.memory_space<vmem>>
    %dma_wait3A_469 = arith.constant 0 : i32
    %dma_wait3A_470 = arith.constant 0 : i32
    %dma_wait3A_471 = tpu.memref_slice %arg2[%dma_wait3A_469, %dma_wait3A_470] : memref<10000x32xf32, #tpu.memory_space<hbm>> -> memref<10000x32xf32, #tpu.memory_space<hbm>>
    tpu.wait_indirect_dma semaphore(%arg11 : memref<!tpu.dma_semaphore, #tpu.memory_space<semaphore_mem>>) src(%dma_wait3A_471 : memref<10000x32xf32, #tpu.memory_space<hbm>>) dst(%dma_wait3A_465 : memref<128x32xf32, #tpu.memory_space<vmem>>)
    %dma_wait3A_472 = arith.constant 18 : i32
    %dma_wait3A_473 = arith.constant 2304 : i32
    %dma_wait3A_474 = arith.constant 0 : i32
    %dma_wait3A_475 = tpu.memref_slice %arg7[%dma_wait3A_473, %dma_wait3A_474] : memref<3200x32xf32, #tpu.memory_space<vmem>> -> memref<128x32xf32, #tpu.memory_space<vmem>>
    %dma_wait3A_476 = arith.constant 0 : i32
    %dma_wait3A_477 = tpu.memref_slice %arg6[%dma_wait3A_472, %dma_wait3A_476] : memref<25x128xi32, #tpu.memory_space<vmem>> -> memref<1x128xi32, #tpu.memory_space<vmem>>
    %dma_wait3A_478 = tpu.memref_squeeze %dma_wait3A_477 : memref<1x128xi32, #tpu.memory_space<vmem>> -> memref<128xi32, #tpu.memory_space<vmem>>
    %dma_wait3A_479 = arith.constant 0 : i32
    %dma_wait3A_480 = arith.constant 0 : i32
    %dma_wait3A_481 = tpu.memref_slice %arg2[%dma_wait3A_479, %dma_wait3A_480] : memref<10000x32xf32, #tpu.memory_space<hbm>> -> memref<10000x32xf32, #tpu.memory_space<hbm>>
    tpu.wait_indirect_dma semaphore(%arg11 : memref<!tpu.dma_semaphore, #tpu.memory_space<semaphore_mem>>) src(%dma_wait3A_481 : memref<10000x32xf32, #tpu.memory_space<hbm>>) dst(%dma_wait3A_475 : memref<128x32xf32, #tpu.memory_space<vmem>>)
    %dma_wait3A_482 = arith.constant 19 : i32
    %dma_wait3A_483 = arith.constant 2432 : i32
    %dma_wait3A_484 = arith.constant 0 : i32
    %dma_wait3A_485 = tpu.memref_slice %arg7[%dma_wait3A_483, %dma_wait3A_484] : memref<3200x32xf32, #tpu.memory_space<vmem>> -> memref<128x32xf32, #tpu.memory_space<vmem>>
    %dma_wait3A_486 = arith.constant 0 : i32
    %dma_wait3A_487 = tpu.memref_slice %arg6[%dma_wait3A_482, %dma_wait3A_486] : memref<25x128xi32, #tpu.memory_space<vmem>> -> memref<1x128xi32, #tpu.memory_space<vmem>>
    %dma_wait3A_488 = tpu.memref_squeeze %dma_wait3A_487 : memref<1x128xi32, #tpu.memory_space<vmem>> -> memref<128xi32, #tpu.memory_space<vmem>>
    %dma_wait3A_489 = arith.constant 0 : i32
    %dma_wait3A_490 = arith.constant 0 : i32
    %dma_wait3A_491 = tpu.memref_slice %arg2[%dma_wait3A_489, %dma_wait3A_490] : memref<10000x32xf32, #tpu.memory_space<hbm>> -> memref<10000x32xf32, #tpu.memory_space<hbm>>
    tpu.wait_indirect_dma semaphore(%arg11 : memref<!tpu.dma_semaphore, #tpu.memory_space<semaphore_mem>>) src(%dma_wait3A_491 : memref<10000x32xf32, #tpu.memory_space<hbm>>) dst(%dma_wait3A_485 : memref<128x32xf32, #tpu.memory_space<vmem>>)
    %add3A_492 = arith.constant 1920 : i32
    %add3A_493 = arith.addi %mul3A_2, %add3A_492 : i32
    %dma_start3A_494 = arith.constant 1920 : i32
    %dma_start3A_495 = arith.constant 0 : i32
    %dma_start3A_496 = tpu.memref_slice %arg7[%dma_start3A_494, %dma_start3A_495] : memref<3200x32xf32, #tpu.memory_space<vmem>> -> memref<640x32xf32, #tpu.memory_space<vmem>>
    %dma_start3A_497 = arith.constant 0 : i32
    %dma_start3A_498 = tpu.memref_slice %arg4[%add3A_493, %dma_start3A_497] : memref<102400x32xf32, #tpu.memory_space<hbm>> -> memref<640x32xf32, #tpu.memory_space<hbm>>
    %dma_start3A_499 = arith.constant 0 : i32
    %dma_start3A_500 = tpu.memref_slice %arg4[%add3A_493, %dma_start3A_499] : memref<102400x32xf32, #tpu.memory_space<hbm>> -> memref<640x32xf32, #tpu.memory_space<hbm>>
    %dma_start3A_501 = arith.constant 1920 : i32
    %dma_start3A_502 = arith.constant 0 : i32
    %dma_start3A_503 = tpu.memref_slice %arg7[%dma_start3A_501, %dma_start3A_502] : memref<3200x32xf32, #tpu.memory_space<vmem>> -> memref<640x32xf32, #tpu.memory_space<vmem>>
    tpu.enqueue_dma source(%dma_start3A_503 : memref<640x32xf32, #tpu.memory_space<vmem>>) target(%dma_start3A_500 : memref<640x32xf32, #tpu.memory_space<hbm>>) target_semaphore(%arg13 : memref<!tpu.dma_semaphore, #tpu.memory_space<semaphore_mem>>)
    %dma_wait3A_504 = arith.constant 20 : i32
    %dma_wait3A_505 = arith.constant 2560 : i32
    %dma_wait3A_506 = arith.constant 0 : i32
    %dma_wait3A_507 = tpu.memref_slice %arg7[%dma_wait3A_505, %dma_wait3A_506] : memref<3200x32xf32, #tpu.memory_space<vmem>> -> memref<128x32xf32, #tpu.memory_space<vmem>>
    %dma_wait3A_508 = arith.constant 0 : i32
    %dma_wait3A_509 = tpu.memref_slice %arg6[%dma_wait3A_504, %dma_wait3A_508] : memref<25x128xi32, #tpu.memory_space<vmem>> -> memref<1x128xi32, #tpu.memory_space<vmem>>
    %dma_wait3A_510 = tpu.memref_squeeze %dma_wait3A_509 : memref<1x128xi32, #tpu.memory_space<vmem>> -> memref<128xi32, #tpu.memory_space<vmem>>
    %dma_wait3A_511 = arith.constant 0 : i32
    %dma_wait3A_512 = arith.constant 0 : i32
    %dma_wait3A_513 = tpu.memref_slice %arg2[%dma_wait3A_511, %dma_wait3A_512] : memref<10000x32xf32, #tpu.memory_space<hbm>> -> memref<10000x32xf32, #tpu.memory_space<hbm>>
    tpu.wait_indirect_dma semaphore(%arg12 : memref<!tpu.dma_semaphore, #tpu.memory_space<semaphore_mem>>) src(%dma_wait3A_513 : memref<10000x32xf32, #tpu.memory_space<hbm>>) dst(%dma_wait3A_507 : memref<128x32xf32, #tpu.memory_space<vmem>>)
    %dma_wait3A_514 = arith.constant 21 : i32
    %dma_wait3A_515 = arith.constant 2688 : i32
    %dma_wait3A_516 = arith.constant 0 : i32
    %dma_wait3A_517 = tpu.memref_slice %arg7[%dma_wait3A_515, %dma_wait3A_516] : memref<3200x32xf32, #tpu.memory_space<vmem>> -> memref<128x32xf32, #tpu.memory_space<vmem>>
    %dma_wait3A_518 = arith.constant 0 : i32
    %dma_wait3A_519 = tpu.memref_slice %arg6[%dma_wait3A_514, %dma_wait3A_518] : memref<25x128xi32, #tpu.memory_space<vmem>> -> memref<1x128xi32, #tpu.memory_space<vmem>>
    %dma_wait3A_520 = tpu.memref_squeeze %dma_wait3A_519 : memref<1x128xi32, #tpu.memory_space<vmem>> -> memref<128xi32, #tpu.memory_space<vmem>>
    %dma_wait3A_521 = arith.constant 0 : i32
    %dma_wait3A_522 = arith.constant 0 : i32
    %dma_wait3A_523 = tpu.memref_slice %arg2[%dma_wait3A_521, %dma_wait3A_522] : memref<10000x32xf32, #tpu.memory_space<hbm>> -> memref<10000x32xf32, #tpu.memory_space<hbm>>
    tpu.wait_indirect_dma semaphore(%arg12 : memref<!tpu.dma_semaphore, #tpu.memory_space<semaphore_mem>>) src(%dma_wait3A_523 : memref<10000x32xf32, #tpu.memory_space<hbm>>) dst(%dma_wait3A_517 : memref<128x32xf32, #tpu.memory_space<vmem>>)
    %dma_wait3A_524 = arith.constant 22 : i32
    %dma_wait3A_525 = arith.constant 2816 : i32
    %dma_wait3A_526 = arith.constant 0 : i32
    %dma_wait3A_527 = tpu.memref_slice %arg7[%dma_wait3A_525, %dma_wait3A_526] : memref<3200x32xf32, #tpu.memory_space<vmem>> -> memref<128x32xf32, #tpu.memory_space<vmem>>
    %dma_wait3A_528 = arith.constant 0 : i32
    %dma_wait3A_529 = tpu.memref_slice %arg6[%dma_wait3A_524, %dma_wait3A_528] : memref<25x128xi32, #tpu.memory_space<vmem>> -> memref<1x128xi32, #tpu.memory_space<vmem>>
    %dma_wait3A_530 = tpu.memref_squeeze %dma_wait3A_529 : memref<1x128xi32, #tpu.memory_space<vmem>> -> memref<128xi32, #tpu.memory_space<vmem>>
    %dma_wait3A_531 = arith.constant 0 : i32
    %dma_wait3A_532 = arith.constant 0 : i32
    %dma_wait3A_533 = tpu.memref_slice %arg2[%dma_wait3A_531, %dma_wait3A_532] : memref<10000x32xf32, #tpu.memory_space<hbm>> -> memref<10000x32xf32, #tpu.memory_space<hbm>>
    tpu.wait_indirect_dma semaphore(%arg12 : memref<!tpu.dma_semaphore, #tpu.memory_space<semaphore_mem>>) src(%dma_wait3A_533 : memref<10000x32xf32, #tpu.memory_space<hbm>>) dst(%dma_wait3A_527 : memref<128x32xf32, #tpu.memory_space<vmem>>)
    %dma_wait3A_534 = arith.constant 23 : i32
    %dma_wait3A_535 = arith.constant 2944 : i32
    %dma_wait3A_536 = arith.constant 0 : i32
    %dma_wait3A_537 = tpu.memref_slice %arg7[%dma_wait3A_535, %dma_wait3A_536] : memref<3200x32xf32, #tpu.memory_space<vmem>> -> memref<128x32xf32, #tpu.memory_space<vmem>>
    %dma_wait3A_538 = arith.constant 0 : i32
    %dma_wait3A_539 = tpu.memref_slice %arg6[%dma_wait3A_534, %dma_wait3A_538] : memref<25x128xi32, #tpu.memory_space<vmem>> -> memref<1x128xi32, #tpu.memory_space<vmem>>
    %dma_wait3A_540 = tpu.memref_squeeze %dma_wait3A_539 : memref<1x128xi32, #tpu.memory_space<vmem>> -> memref<128xi32, #tpu.memory_space<vmem>>
    %dma_wait3A_541 = arith.constant 0 : i32
    %dma_wait3A_542 = arith.constant 0 : i32
    %dma_wait3A_543 = tpu.memref_slice %arg2[%dma_wait3A_541, %dma_wait3A_542] : memref<10000x32xf32, #tpu.memory_space<hbm>> -> memref<10000x32xf32, #tpu.memory_space<hbm>>
    tpu.wait_indirect_dma semaphore(%arg12 : memref<!tpu.dma_semaphore, #tpu.memory_space<semaphore_mem>>) src(%dma_wait3A_543 : memref<10000x32xf32, #tpu.memory_space<hbm>>) dst(%dma_wait3A_537 : memref<128x32xf32, #tpu.memory_space<vmem>>)
    %dma_wait3A_544 = arith.constant 24 : i32
    %dma_wait3A_545 = arith.constant 3072 : i32
    %dma_wait3A_546 = arith.constant 0 : i32
    %dma_wait3A_547 = tpu.memref_slice %arg7[%dma_wait3A_545, %dma_wait3A_546] : memref<3200x32xf32, #tpu.memory_space<vmem>> -> memref<128x32xf32, #tpu.memory_space<vmem>>
    %dma_wait3A_548 = arith.constant 0 : i32
    %dma_wait3A_549 = tpu.memref_slice %arg6[%dma_wait3A_544, %dma_wait3A_548] : memref<25x128xi32, #tpu.memory_space<vmem>> -> memref<1x128xi32, #tpu.memory_space<vmem>>
    %dma_wait3A_550 = tpu.memref_squeeze %dma_wait3A_549 : memref<1x128xi32, #tpu.memory_space<vmem>> -> memref<128xi32, #tpu.memory_space<vmem>>
    %dma_wait3A_551 = arith.constant 0 : i32
    %dma_wait3A_552 = arith.constant 0 : i32
    %dma_wait3A_553 = tpu.memref_slice %arg2[%dma_wait3A_551, %dma_wait3A_552] : memref<10000x32xf32, #tpu.memory_space<hbm>> -> memref<10000x32xf32, #tpu.memory_space<hbm>>
    tpu.wait_indirect_dma semaphore(%arg12 : memref<!tpu.dma_semaphore, #tpu.memory_space<semaphore_mem>>) src(%dma_wait3A_553 : memref<10000x32xf32, #tpu.memory_space<hbm>>) dst(%dma_wait3A_547 : memref<128x32xf32, #tpu.memory_space<vmem>>)
    %add3A_554 = arith.constant 2560 : i32
    %add3A_555 = arith.addi %mul3A_2, %add3A_554 : i32
    %dma_start3A_556 = arith.constant 2560 : i32
    %dma_start3A_557 = arith.constant 0 : i32
    %dma_start3A_558 = tpu.memref_slice %arg7[%dma_start3A_556, %dma_start3A_557] : memref<3200x32xf32, #tpu.memory_space<vmem>> -> memref<640x32xf32, #tpu.memory_space<vmem>>
    %dma_start3A_559 = arith.constant 0 : i32
    %dma_start3A_560 = tpu.memref_slice %arg4[%add3A_555, %dma_start3A_559] : memref<102400x32xf32, #tpu.memory_space<hbm>> -> memref<640x32xf32, #tpu.memory_space<hbm>>
    %dma_start3A_561 = arith.constant 0 : i32
    %dma_start3A_562 = tpu.memref_slice %arg4[%add3A_555, %dma_start3A_561] : memref<102400x32xf32, #tpu.memory_space<hbm>> -> memref<640x32xf32, #tpu.memory_space<hbm>>
    %dma_start3A_563 = arith.constant 2560 : i32
    %dma_start3A_564 = arith.constant 0 : i32
    %dma_start3A_565 = tpu.memref_slice %arg7[%dma_start3A_563, %dma_start3A_564] : memref<3200x32xf32, #tpu.memory_space<vmem>> -> memref<640x32xf32, #tpu.memory_space<vmem>>
    tpu.enqueue_dma source(%dma_start3A_565 : memref<640x32xf32, #tpu.memory_space<vmem>>) target(%dma_start3A_562 : memref<640x32xf32, #tpu.memory_space<hbm>>) target_semaphore(%arg13 : memref<!tpu.dma_semaphore, #tpu.memory_space<semaphore_mem>>)
    %dma_wait3A_566 = arith.constant 0 : i32
    %dma_wait3A_567 = arith.constant 0 : i32
    %dma_wait3A_568 = tpu.memref_slice %arg7[%dma_wait3A_566, %dma_wait3A_567] : memref<3200x32xf32, #tpu.memory_space<vmem>> -> memref<640x32xf32, #tpu.memory_space<vmem>>
    %dma_wait3A_569 = arith.constant 0 : i32
    %dma_wait3A_570 = tpu.memref_slice %arg4[%add3A_307, %dma_wait3A_569] : memref<102400x32xf32, #tpu.memory_space<hbm>> -> memref<640x32xf32, #tpu.memory_space<hbm>>
    %dma_wait3A_571 = arith.constant 0 : i32
    %dma_wait3A_572 = tpu.memref_slice %arg4[%add3A_307, %dma_wait3A_571] : memref<102400x32xf32, #tpu.memory_space<hbm>> -> memref<640x32xf32, #tpu.memory_space<hbm>>
    %dma_wait3A_573 = arith.constant 0 : i32
    %dma_wait3A_574 = arith.constant 0 : i32
    %dma_wait3A_575 = tpu.memref_slice %arg7[%dma_wait3A_573, %dma_wait3A_574] : memref<3200x32xf32, #tpu.memory_space<vmem>> -> memref<640x32xf32, #tpu.memory_space<vmem>>
    tpu.wait_dma2 semaphore(%arg13 : memref<!tpu.dma_semaphore, #tpu.memory_space<semaphore_mem>>) src(%dma_wait3A_575 : memref<640x32xf32, #tpu.memory_space<vmem>>) dst(%dma_wait3A_572 : memref<640x32xf32, #tpu.memory_space<hbm>>)
    %dma_wait3A_576 = arith.constant 640 : i32
    %dma_wait3A_577 = arith.constant 0 : i32
    %dma_wait3A_578 = tpu.memref_slice %arg7[%dma_wait3A_576, %dma_wait3A_577] : memref<3200x32xf32, #tpu.memory_space<vmem>> -> memref<640x32xf32, #tpu.memory_space<vmem>>
    %dma_wait3A_579 = arith.constant 0 : i32
    %dma_wait3A_580 = tpu.memref_slice %arg4[%add3A_369, %dma_wait3A_579] : memref<102400x32xf32, #tpu.memory_space<hbm>> -> memref<640x32xf32, #tpu.memory_space<hbm>>
    %dma_wait3A_581 = arith.constant 0 : i32
    %dma_wait3A_582 = tpu.memref_slice %arg4[%add3A_369, %dma_wait3A_581] : memref<102400x32xf32, #tpu.memory_space<hbm>> -> memref<640x32xf32, #tpu.memory_space<hbm>>
    %dma_wait3A_583 = arith.constant 640 : i32
    %dma_wait3A_584 = arith.constant 0 : i32
    %dma_wait3A_585 = tpu.memref_slice %arg7[%dma_wait3A_583, %dma_wait3A_584] : memref<3200x32xf32, #tpu.memory_space<vmem>> -> memref<640x32xf32, #tpu.memory_space<vmem>>
    tpu.wait_dma2 semaphore(%arg13 : memref<!tpu.dma_semaphore, #tpu.memory_space<semaphore_mem>>) src(%dma_wait3A_585 : memref<640x32xf32, #tpu.memory_space<vmem>>) dst(%dma_wait3A_582 : memref<640x32xf32, #tpu.memory_space<hbm>>)
    %dma_wait3A_586 = arith.constant 1280 : i32
    %dma_wait3A_587 = arith.constant 0 : i32
    %dma_wait3A_588 = tpu.memref_slice %arg7[%dma_wait3A_586, %dma_wait3A_587] : memref<3200x32xf32, #tpu.memory_space<vmem>> -> memref<640x32xf32, #tpu.memory_space<vmem>>
    %dma_wait3A_589 = arith.constant 0 : i32
    %dma_wait3A_590 = tpu.memref_slice %arg4[%add3A_431, %dma_wait3A_589] : memref<102400x32xf32, #tpu.memory_space<hbm>> -> memref<640x32xf32, #tpu.memory_space<hbm>>
    %dma_wait3A_591 = arith.constant 0 : i32
    %dma_wait3A_592 = tpu.memref_slice %arg4[%add3A_431, %dma_wait3A_591] : memref<102400x32xf32, #tpu.memory_space<hbm>> -> memref<640x32xf32, #tpu.memory_space<hbm>>
    %dma_wait3A_593 = arith.constant 1280 : i32
    %dma_wait3A_594 = arith.constant 0 : i32
    %dma_wait3A_595 = tpu.memref_slice %arg7[%dma_wait3A_593, %dma_wait3A_594] : memref<3200x32xf32, #tpu.memory_space<vmem>> -> memref<640x32xf32, #tpu.memory_space<vmem>>
    tpu.wait_dma2 semaphore(%arg13 : memref<!tpu.dma_semaphore, #tpu.memory_space<semaphore_mem>>) src(%dma_wait3A_595 : memref<640x32xf32, #tpu.memory_space<vmem>>) dst(%dma_wait3A_592 : memref<640x32xf32, #tpu.memory_space<hbm>>)
    %dma_wait3A_596 = arith.constant 1920 : i32
    %dma_wait3A_597 = arith.constant 0 : i32
    %dma_wait3A_598 = tpu.memref_slice %arg7[%dma_wait3A_596, %dma_wait3A_597] : memref<3200x32xf32, #tpu.memory_space<vmem>> -> memref<640x32xf32, #tpu.memory_space<vmem>>
    %dma_wait3A_599 = arith.constant 0 : i32
    %dma_wait3A_600 = tpu.memref_slice %arg4[%add3A_493, %dma_wait3A_599] : memref<102400x32xf32, #tpu.memory_space<hbm>> -> memref<640x32xf32, #tpu.memory_space<hbm>>
    %dma_wait3A_601 = arith.constant 0 : i32
    %dma_wait3A_602 = tpu.memref_slice %arg4[%add3A_493, %dma_wait3A_601] : memref<102400x32xf32, #tpu.memory_space<hbm>> -> memref<640x32xf32, #tpu.memory_space<hbm>>
    %dma_wait3A_603 = arith.constant 1920 : i32
    %dma_wait3A_604 = arith.constant 0 : i32
    %dma_wait3A_605 = tpu.memref_slice %arg7[%dma_wait3A_603, %dma_wait3A_604] : memref<3200x32xf32, #tpu.memory_space<vmem>> -> memref<640x32xf32, #tpu.memory_space<vmem>>
    tpu.wait_dma2 semaphore(%arg13 : memref<!tpu.dma_semaphore, #tpu.memory_space<semaphore_mem>>) src(%dma_wait3A_605 : memref<640x32xf32, #tpu.memory_space<vmem>>) dst(%dma_wait3A_602 : memref<640x32xf32, #tpu.memory_space<hbm>>)
    %dma_wait3A_606 = arith.constant 2560 : i32
    %dma_wait3A_607 = arith.constant 0 : i32
    %dma_wait3A_608 = tpu.memref_slice %arg7[%dma_wait3A_606, %dma_wait3A_607] : memref<3200x32xf32, #tpu.memory_space<vmem>> -> memref<640x32xf32, #tpu.memory_space<vmem>>
    %dma_wait3A_609 = arith.constant 0 : i32
    %dma_wait3A_610 = tpu.memref_slice %arg4[%add3A_555, %dma_wait3A_609] : memref<102400x32xf32, #tpu.memory_space<hbm>> -> memref<640x32xf32, #tpu.memory_space<hbm>>
    %dma_wait3A_611 = arith.constant 0 : i32
    %dma_wait3A_612 = tpu.memref_slice %arg4[%add3A_555, %dma_wait3A_611] : memref<102400x32xf32, #tpu.memory_space<hbm>> -> memref<640x32xf32, #tpu.memory_space<hbm>>
    %dma_wait3A_613 = arith.constant 2560 : i32
    %dma_wait3A_614 = arith.constant 0 : i32
    %dma_wait3A_615 = tpu.memref_slice %arg7[%dma_wait3A_613, %dma_wait3A_614] : memref<3200x32xf32, #tpu.memory_space<vmem>> -> memref<640x32xf32, #tpu.memory_space<vmem>>
    tpu.wait_dma2 semaphore(%arg13 : memref<!tpu.dma_semaphore, #tpu.memory_space<semaphore_mem>>) src(%dma_wait3A_615 : memref<640x32xf32, #tpu.memory_space<vmem>>) dst(%dma_wait3A_612 : memref<640x32xf32, #tpu.memory_space<hbm>>)
    return
  }
}

module attributes {stable_mosaic.version = 14 : i64} {
  func.func @_matmul_body(%arg0: i32, %arg1: memref<800x128xf32, #tpu.memory_space<vmem>>, %arg2: memref<16x3200xf32, #tpu.memory_space<vmem>>, %arg3: memref<16x3200xf32, #tpu.memory_space<vmem>>, %arg4: memref<16x512xf32, #tpu.memory_space<vmem>>, %arg5: memref<32x512xf32, #tpu.memory_space<vmem>>, %arg6: memref<512x32xf32, #tpu.memory_space<vmem>>, %arg7: memref<32x32xf32, #tpu.memory_space<vmem>>, %arg8: memref<800x128xf32, #tpu.memory_space<vmem>>) attributes {dimension_semantics = [#tpu.dimension_semantics<arbitrary>], iteration_bounds = array<i64: 32>, scalar_prefetch = 0 : i64, scratch_operands = 0 : i64, tpu.core_type = #tpu.core_type<tc>, window_params = [{transform_indices = @transform_0, window_bounds = array<i64: 800, 128>}, {transform_indices = @transform_1, window_bounds = array<i64: 16, 3200>}, {pipeline_mode = #tpu.pipeline_mode<synchronous>, transform_indices = @transform_2, window_bounds = array<i64: 16, 3200>}, {pipeline_mode = #tpu.pipeline_mode<synchronous>, transform_indices = @transform_3, window_bounds = array<i64: 16, 512>}, {pipeline_mode = #tpu.pipeline_mode<synchronous>, transform_indices = @transform_4, window_bounds = array<i64: 32, 512>}, {pipeline_mode = #tpu.pipeline_mode<synchronous>, transform_indices = @transform_5, window_bounds = array<i64: 512, 32>}, {pipeline_mode = #tpu.pipeline_mode<synchronous>, transform_indices = @transform_6, window_bounds = array<i64: 32, 32>}, {transform_indices = @transform_7, window_bounds = array<i64: 800, 128>}]} {
    %get3A = arith.constant 0 : index
    %get3A_0 = arith.constant 0 : index
    %get3A_1 = vector.load %arg1[%get3A, %get3A_0] : memref<800x128xf32, #tpu.memory_space<vmem>>, vector<800x128xf32>
    %slice3A = vector.extract_strided_slice %get3A_1 {offsets = [0, 0], sizes = [800, 32], strides = [1, 1]} : vector<800x128xf32> to vector<800x32xf32>
    %slice3A_2 = vector.extract_strided_slice %get3A_1 {offsets = [0, 32], sizes = [800, 32], strides = [1, 1]} : vector<800x128xf32> to vector<800x32xf32>
    %slice3A_3 = vector.extract_strided_slice %get3A_1 {offsets = [0, 64], sizes = [800, 32], strides = [1, 1]} : vector<800x128xf32> to vector<800x32xf32>
    %slice3A_4 = vector.extract_strided_slice %get3A_1 {offsets = [0, 96], sizes = [800, 32], strides = [1, 1]} : vector<800x128xf32> to vector<800x32xf32>
    %concatenate3A = tpu.concatenate %slice3A, %slice3A_2, %slice3A_3, %slice3A_4 in 0 : vector<800x32xf32>, vector<800x32xf32>, vector<800x32xf32>, vector<800x32xf32> -> vector<3200x32xf32>
    %lt3A = arith.constant 31 : i32
    %lt3A_5 = arith.cmpi slt, %arg0, %lt3A : i32
    %get3A_6 = arith.constant 0 : index
    %get3A_7 = arith.constant 0 : index
    %get3A_8 = vector.load %arg2[%get3A_6, %get3A_7] : memref<16x3200xf32, #tpu.memory_space<vmem>>, vector<16x3200xf32>
    %get3A_9 = arith.constant 0 : index
    %get3A_10 = arith.constant 0 : index
    %get3A_11 = vector.load %arg3[%get3A_9, %get3A_10] : memref<16x3200xf32, #tpu.memory_space<vmem>>, vector<16x3200xf32>
    %select_n3A = arith.select %lt3A_5, %get3A_8, %get3A_11 : vector<16x3200xf32>
    %get3A_12 = arith.constant 0 : index
    %get3A_13 = arith.constant 0 : index
    %get3A_14 = vector.load %arg4[%get3A_12, %get3A_13] : memref<16x512xf32, #tpu.memory_space<vmem>>, vector<16x512xf32>
    %dot_general3A = arith.constant dense<0.000000e+00> : vector<3200x512xf32>
    %dot_general3A_15 = tpu.matmul %select_n3A, %get3A_14, %dot_general3A {dimension_numbers = #tpu.dot_dimension_numbers<[0], [0], [1], [1], [0, 1, 1, 1], [], []>, transpose_lhs_hint = false} : vector<16x3200xf32>, vector<16x512xf32>, vector<3200x512xf32> -> vector<3200x512xf32>
    %tile3A = tpu.concatenate %concatenate3A, %concatenate3A, %concatenate3A, %concatenate3A, %concatenate3A, %concatenate3A, %concatenate3A, %concatenate3A, %concatenate3A, %concatenate3A, %concatenate3A, %concatenate3A, %concatenate3A, %concatenate3A, %concatenate3A, %concatenate3A in 1 : vector<3200x32xf32>, vector<3200x32xf32>, vector<3200x32xf32>, vector<3200x32xf32>, vector<3200x32xf32>, vector<3200x32xf32>, vector<3200x32xf32>, vector<3200x32xf32>, vector<3200x32xf32>, vector<3200x32xf32>, vector<3200x32xf32>, vector<3200x32xf32>, vector<3200x32xf32>, vector<3200x32xf32>, vector<3200x32xf32>, vector<3200x32xf32> -> vector<3200x512xf32>
    %mul3A = arith.mulf %dot_general3A_15, %tile3A : vector<3200x512xf32>
    %get3A_16 = arith.constant 0 : index
    %get3A_17 = arith.constant 0 : index
    %get3A_18 = vector.load %arg6[%get3A_16, %get3A_17] : memref<512x32xf32, #tpu.memory_space<vmem>>, vector<512x32xf32>
    %dot_general3A_19 = arith.constant dense<0.000000e+00> : vector<3200x32xf32>
    %dot_general3A_20 = tpu.matmul %mul3A, %get3A_18, %dot_general3A_19 {dimension_numbers = #tpu.dot_dimension_numbers<[1], [0], [0], [1], [0, 0, 1, 1], [], []>, transpose_lhs_hint = false} : vector<3200x512xf32>, vector<512x32xf32>, vector<3200x32xf32> -> vector<3200x32xf32>
    %get3A_21 = arith.constant 0 : index
    %get3A_22 = arith.constant 0 : index
    %get3A_23 = vector.load %arg7[%get3A_21, %get3A_22] : memref<32x32xf32, #tpu.memory_space<vmem>>, vector<32x32xf32>
    %dot_general3A_24 = arith.constant dense<0.000000e+00> : vector<3200x32xf32>
    %dot_general3A_25 = tpu.matmul %concatenate3A, %get3A_23, %dot_general3A_24 {dimension_numbers = #tpu.dot_dimension_numbers<[1], [0], [0], [1], [0, 0, 1, 1], [], []>, transpose_lhs_hint = false} : vector<3200x32xf32>, vector<32x32xf32>, vector<3200x32xf32> -> vector<3200x32xf32>
    %add3A = arith.addf %dot_general3A_20, %dot_general3A_25 : vector<3200x32xf32>
    %slice3A_26 = vector.extract_strided_slice %add3A {offsets = [0, 0], sizes = [800, 32], strides = [1, 1]} : vector<3200x32xf32> to vector<800x32xf32>
    %slice3A_27 = vector.extract_strided_slice %add3A {offsets = [800, 0], sizes = [800, 32], strides = [1, 1]} : vector<3200x32xf32> to vector<800x32xf32>
    %slice3A_28 = vector.extract_strided_slice %add3A {offsets = [1600, 0], sizes = [800, 32], strides = [1, 1]} : vector<3200x32xf32> to vector<800x32xf32>
    %slice3A_29 = vector.extract_strided_slice %add3A {offsets = [2400, 0], sizes = [800, 32], strides = [1, 1]} : vector<3200x32xf32> to vector<800x32xf32>
    %concatenate3A_30 = tpu.concatenate %slice3A_26, %slice3A_27, %slice3A_28, %slice3A_29 in 1 : vector<800x32xf32>, vector<800x32xf32>, vector<800x32xf32>, vector<800x32xf32> -> vector<800x128xf32>
    %swap3A = arith.constant 0 : index
    %swap3A_31 = arith.constant 0 : index
    %swap3A_32 = vector.load %arg8[%swap3A, %swap3A_31] : memref<800x128xf32, #tpu.memory_space<vmem>>, vector<800x128xf32>
    tpu.vector_store %arg8[%swap3A, %swap3A_31], %concatenate3A_30 {strides = array<i32>} : memref<800x128xf32, #tpu.memory_space<vmem>>, vector<800x128xf32>,
    return
  }
  func.func @transform_0(%arg0: i32) -> (i32, i32) {
    %c0_i32 = arith.constant 0 : i32
    %c0_i32_0 = arith.constant 0 : i32
    return %arg0, %c0_i32 : i32, i32
  }
  func.func @transform_1(%arg0: i32) -> (i32, i32) {
    %min3A = arith.constant 30 : i32
    %min3A_0 = arith.minsi %arg0, %min3A : i32
    %c0_i32 = arith.constant 0 : i32
    %c0_i32_1 = arith.constant 0 : i32
    return %c0_i32, %min3A_0 : i32, i32
  }
  func.func @transform_2(%arg0: i32) -> (i32, i32) {
    %c0_i32 = arith.constant 0 : i32
    %c0_i32_0 = arith.constant 0 : i32
    %c0_i32_1 = arith.constant 0 : i32
    return %c0_i32, %c0_i32_0 : i32, i32
  }
  func.func @transform_3(%arg0: i32) -> (i32, i32) {
    %c0_i32 = arith.constant 0 : i32
    %c0_i32_0 = arith.constant 0 : i32
    %c0_i32_1 = arith.constant 0 : i32
    return %c0_i32, %c0_i32_0 : i32, i32
  }
  func.func @transform_4(%arg0: i32) -> (i32, i32) {
    %c0_i32 = arith.constant 0 : i32
    %c0_i32_0 = arith.constant 0 : i32
    %c0_i32_1 = arith.constant 0 : i32
    return %c0_i32, %c0_i32_0 : i32, i32
  }
  func.func @transform_5(%arg0: i32) -> (i32, i32) {
    %c0_i32 = arith.constant 0 : i32
    %c0_i32_0 = arith.constant 0 : i32
    %c0_i32_1 = arith.constant 0 : i32
    return %c0_i32, %c0_i32_0 : i32, i32
  }
  func.func @transform_6(%arg0: i32) -> (i32, i32) {
    %c0_i32 = arith.constant 0 : i32
    %c0_i32_0 = arith.constant 0 : i32
    %c0_i32_1 = arith.constant 0 : i32
    return %c0_i32, %c0_i32_0 : i32, i32
  }
  func.func @transform_7(%arg0: i32) -> (i32, i32) {
    %c0_i32 = arith.constant 0 : i32
    %c0_i32_0 = arith.constant 0 : i32
    return %arg0, %c0_i32 : i32, i32
  }
}

module attributes {stable_mosaic.version = 14 : i64} {
  func.func @_combine_body(%arg0: i32, %arg1: memref<2x512x128xf32, #tpu.memory_space<vmem>>, %arg2: memref<2048x32xf32, #tpu.memory_space<vmem>>) attributes {dimension_semantics = [#tpu.dimension_semantics<arbitrary>], iteration_bounds = array<i64: 5>, scalar_prefetch = 0 : i64, scratch_operands = 0 : i64, tpu.core_type = #tpu.core_type<tc>, window_params = [{transform_indices = @transform_0, window_bounds = array<i64: 2, 512, 128>}, {transform_indices = @transform_1, window_bounds = array<i64: 2048, 32>}]} {
    %get3A = arith.constant 0 : index
    %get3A_0 = arith.constant 0 : index
    %get3A_1 = arith.constant 0 : index
    %get3A_2 = vector.load %arg1[%get3A, %get3A_0, %get3A_1] : memref<2x512x128xf32, #tpu.memory_space<vmem>>, vector<1x512x128xf32>
    %get3A_3 = vector.shape_cast %get3A_2 : vector<1x512x128xf32> to vector<512x128xf32>
    %get3A_4 = arith.constant 1 : index
    %get3A_5 = arith.constant 0 : index
    %get3A_6 = arith.constant 0 : index
    %get3A_7 = vector.load %arg1[%get3A_4, %get3A_5, %get3A_6] : memref<2x512x128xf32, #tpu.memory_space<vmem>>, vector<1x512x128xf32>
    %get3A_8 = vector.shape_cast %get3A_7 : vector<1x512x128xf32> to vector<512x128xf32>
    %add3A = arith.addf %get3A_3, %get3A_8 : vector<512x128xf32>
    %slice3A = vector.extract_strided_slice %add3A {offsets = [0, 0], sizes = [512, 32], strides = [1, 1]} : vector<512x128xf32> to vector<512x32xf32>
    %slice3A_9 = vector.extract_strided_slice %add3A {offsets = [0, 32], sizes = [512, 32], strides = [1, 1]} : vector<512x128xf32> to vector<512x32xf32>
    %slice3A_10 = vector.extract_strided_slice %add3A {offsets = [0, 64], sizes = [512, 32], strides = [1, 1]} : vector<512x128xf32> to vector<512x32xf32>
    %slice3A_11 = vector.extract_strided_slice %add3A {offsets = [0, 96], sizes = [512, 32], strides = [1, 1]} : vector<512x128xf32> to vector<512x32xf32>
    %concatenate3A = tpu.concatenate %slice3A, %slice3A_9, %slice3A_10, %slice3A_11 in 0 : vector<512x32xf32>, vector<512x32xf32>, vector<512x32xf32>, vector<512x32xf32> -> vector<2048x32xf32>
    %swap3A = arith.constant 0 : index
    %swap3A_12 = arith.constant 0 : index
    %swap3A_13 = vector.load %arg2[%swap3A, %swap3A_12] : memref<2048x32xf32, #tpu.memory_space<vmem>>, vector<2048x32xf32>
    tpu.vector_store %arg2[%swap3A, %swap3A_12], %concatenate3A {strides = array<i32>} : memref<2048x32xf32, #tpu.memory_space<vmem>>, vector<2048x32xf32>,
    return
  }
  func.func @transform_0(%arg0: i32) -> (i32, i32, i32) {
    %c0_i32 = arith.constant 0 : i32
    %c0_i32_0 = arith.constant 0 : i32
    %c0_i32_1 = arith.constant 0 : i32
    return %c0_i32, %arg0, %c0_i32_0 : i32, i32, i32
  }
  func.func @transform_1(%arg0: i32) -> (i32, i32) {
    %c0_i32 = arith.constant 0 : i32
    %c0_i32_0 = arith.constant 0 : i32
    return %arg0, %c0_i32 : i32, i32
  }
}

</mosaic_0001>

<sc_bundles>
// kernel: kernel.10.cloned.1.call-start
scs
__scs_entry_jumppad:
0x0: {  	(pc) =	sbr.rel $0x88, $3  }
0x1: {  	(tag) =	ssettag $0x0;
	lr =	simm.s32 $0x1  }
0x2: {  	[smem:$0x3F9C] =	sst lr;
	_ =	strace $0xD0000000  }
0x3: {  	_ = 	snop  }
0x4: {  	_ = 	snop  }
0x5: {  	_ = 	snop  }
0x6: {  	_ = 	snop  }
0x7: {  	_ = 	snop  }
__scs_overlays_trampoline_lowered:
0x8: {  	[smem:$0x3FAB] =	sst s0  }
0x9: {  	[smem:$0x3FAC] =	sst s1  }
0xa: {  	[smem:$0x3FAD] =	sst s2  }
0xb: {  	[smem:$0x3FAE] =	sst s3  }
0xc: {  	[smem:$0x3FAF] =	sst s4  }
0xd: {  	[smem:$0x3FB0] =	sst s5  }
0xe: {  	[smem:$0x3FB1] =	sst s6  }
0xf: {  	[smem:$0x3FB2] =	sst s7  }
0x10: {  	[smem:$0x3FB3] =	sst s8  }
0x11: {  	[smem:$0x3FB4] =	sst s9;
	s0 =	simm.s32 @!p0 $0x0  }
0x12: {  	s1 =	sld [smem:$0x3F9A];
	s0 =	simm.s32 @p0 $0x1  }
0x13: {  	[smem:$0x3FB5] =	sst s0;
	s0 =	simm.s32 @!p1 $0x0  }
0x14: {  	s2 =	sld [smem:$0x3F99];
	s0 =	simm.s32 @p1 $0x1  }
0x15: {  	[smem:$0x3FB6] =	sst s0;
	s0 =	simm.s32 @!p2 $0x0  }
0x16: {  	s3 =	sld [smem:$0x3FDB];
	s0 =	simm.s32 @p2 $0x1  }
0x17: {  	s4 =	simm.s32 $0x1BF5;
	[smem:$0x3FB8] =	sst s0  }
0x18: {  	s0 =	sld [smem:$0x3F9B];
	_ =	swait.ge [sflag:s4], $0x0  }
0x19: {  	s7 =	sld [smem:$0x3F9C]  }
0x1a: {  	s8 =	sadd.s32 $0xFFFFE003, lr  }
0x1b: {  	s9 =	sadd.s32 $0xFFFFFEF7, lr;
	s5 =	simm.s32 $0xFFFFFFFF;
	p2 =	slt.u32 s8, $0xFFFFF086  }
0x1c: {  	p1 =	slt.u32 s9, $0xF7A;
	s5 =	simm.s32 @!p2 $0x0  }
0x1d: {  	s5 =	simm.s32 @p1 $0x1;
	p0 =	seq.s32 s7, s2  }
0x1e: {  	s7 =	smul.u32 @!p0 $0xF7A, s2;
	p2 =	seq.s32 @!p0 s5, $0x0  }
0x1f: {  	s9 =	smul.u32 $0xF7A, s1;
	s8 =	simm.s32 @!p0 $0x1BF5;
	p2 =	por !p2, p0  }
0x20: {  	[sflag:s8] =	ssyncset.s32 @!p0 $0xFFFFF086;
	s6 =	sadd.s32 @!p0 s3, s7;
	s7 =	simm.s32 @!p0 $0x108  }
0x21: {  	s3 =	sadd.s32 s3, s9;
	s6 =	sadd.s32 @!p0 $0x88, s6;
	s7 =	simm.s32 @p2 $0x1082  }
0x22: {  	[simem:s7], [sflag:s8] =	dma.local @!p0 [hbm:s6], $0xF7A  }
0x23: {  	s9 =	sor.u32 $0xD0000000, s2;
	s6 =	simm.s32 $0x108;
	_ =	swait.ge @!p0 [sflag:s8], $0x0  }
0x24: {  	s3 =	sadd.s32 $0x88, s3;
	s6 =	simm.s32 @!p1 $0x1082;
	[sflag:s4] =	ssyncset.s32 $0xFFFFF086  }
0x25: {  	[simem:s6], [sflag:s4] =	dma.local [hbm:s3], $0xF7A  }
0x26: {  	[smem:$0x3F9C] =	sst s1;
	(tag) =	ssettag s2;
	_ =	strace s9  }
0x27: {  	s1 =	sld [smem:$0x3FAC]  }
0x28: {  	s2 =	sld [smem:$0x3FAD]  }
0x29: {  	s4 =	sld [smem:$0x3FAF]  }
0x2a: {  	p0 =	seq.s32 s5, $0x0;
	s5 =	sld [smem:$0x3FB0]  }
0x2b: {  	s6 =	sld [smem:$0x3FB1]  }
0x2c: {  	s7 =	sld [smem:$0x3FB2]  }
0x2d: {  	s3 =	simm.s32 $0x108;
	s8 =	sld [smem:$0x3FB3]  }
0x2e: {  	s3 =	simm.s32 @!p0 $0x1082;
	s9 =	sld [smem:$0x3FB4]  }
0x2f: {  	lr =	sadd.s32 s0, s3;
	s0 =	sld [smem:$0x3FAB]  }
0x30: {  	s3 =	sld [smem:$0x3FAE]  }
0x31: {  	[smem:$0x3FB7] =	sst s10  }
0x32: {  	s10 =	sld [smem:$0x3FB5];
	_ =	sdelay $0x3  }
0x33: {  	p0 =	seq.s32 s10, $0x1;
	s10 =	sld [smem:$0x3FB7];
	_ =	sdelay $0x3  }
0x34: {  	[smem:$0x3FB7] =	sst s10  }
0x35: {  	s10 =	sld [smem:$0x3FB6];
	_ =	sdelay $0x3  }
0x36: {  	p1 =	seq.s32 s10, $0x1;
	s10 =	sld [smem:$0x3FB7];
	_ =	sdelay $0x3  }
0x37: {  	[smem:$0x3FB7] =	sst s10  }
0x38: {  	s10 =	sld [smem:$0x3FB8]  }
0x39: {  	_ = 	snop;
	(pc) =	sbr.ind lr, $3  }
0x3a: {  	_ = 	snop  }
0x3b: {  	_ = 	snop  }
0x3c: {  	p2 =	seq.s32 s10, $0x1;
	s10 =	sld [smem:$0x3FB7]  }
0x3d: {  	_ =	shalt  }
0x3e: {  	_ =	shalt  }
0x3f: {  	_ =	shalt  }
0x40: {  	_ =	shalt  }
0x41: {  	_ =	shalt  }
0x42: {  	_ =	shalt  }
0x43: {  	_ =	shalt  }
0x44: {  	_ =	shalt  }
0x45: {  	_ =	shalt  }
0x46: {  	_ =	shalt  }
0x47: {  	_ =	shalt  }
0x48: {  	_ =	shalt  }
0x49: {  	_ =	shalt  }
0x4a: {  	_ =	shalt  }
0x4b: {  	_ =	shalt  }
0x4c: {  	_ =	shalt  }
0x4d: {  	_ =	shalt  }
0x4e: {  	_ =	shalt  }
0x4f: {  	_ =	shalt  }
0x50: {  	_ =	shalt  }
0x51: {  	_ =	shalt  }
0x52: {  	_ =	shalt  }
0x53: {  	_ =	shalt  }
0x54: {  	_ =	shalt  }
0x55: {  	_ =	shalt  }
0x56: {  	_ =	shalt  }
0x57: {  	_ =	shalt  }
0x58: {  	_ =	shalt  }
0x59: {  	_ =	shalt  }
0x5a: {  	_ =	shalt  }
0x5b: {  	_ =	shalt  }
0x5c: {  	_ =	shalt  }
0x5d: {  	_ =	shalt  }
0x5e: {  	_ =	shalt  }
0x5f: {  	_ =	shalt  }
0x60: {  	_ =	shalt  }
0x61: {  	_ =	shalt  }
0x62: {  	_ =	shalt  }
0x63: {  	_ =	shalt  }
0x64: {  	_ =	shalt  }
0x65: {  	_ =	shalt  }
0x66: {  	_ =	shalt  }
0x67: {  	_ =	shalt  }
0x68: {  	_ =	shalt  }
0x69: {  	_ =	shalt  }
0x6a: {  	_ =	shalt  }
0x6b: {  	_ =	shalt  }
0x6c: {  	_ =	shalt  }
0x6d: {  	_ =	shalt  }
0x6e: {  	_ =	shalt  }
0x6f: {  	_ =	shalt  }
0x70: {  	_ =	shalt  }
0x71: {  	_ =	shalt  }
0x72: {  	_ =	shalt  }
0x73: {  	_ =	shalt  }
0x74: {  	_ =	shalt  }
0x75: {  	_ =	shalt  }
0x76: {  	_ =	shalt  }
0x77: {  	_ =	shalt  }
0x78: {  	_ =	shalt  }
0x79: {  	_ =	shalt  }
0x7a: {  	_ =	shalt  }
0x7b: {  	_ =	shalt  }
0x7c: {  	_ =	shalt  }
0x7d: {  	_ =	shalt  }
0x7e: {  	_ =	shalt  }
0x7f: {  	_ =	shalt  }
0x80: {  	_ =	shalt  }
0x81: {  	_ =	shalt  }
0x82: {  	_ =	shalt  }
0x83: {  	_ =	shalt  }
0x84: {  	_ =	shalt  }
0x85: {  	_ =	shalt  }
0x86: {  	_ =	shalt  }
0x87: {  	_ =	shalt  }
.Lfunc_end0:
.L_simem_size_0:
called_computation.1_lowered:
.L_overlay_start_0:
0x88: {  	s2 =	sld [smem:$0x3FD9]  }
0x89: {  	s3 =	sld [smem:$0x3FFE];
	_ =	sdelay $0x1  }
0x8a: {  	s1 =	srdreg.scid  }
0x8b: {  	s0 =	sand.u32 $0x1, s1  }
0x8c: {  	s16 =	sshll.u32 s0, $0xA;
	s2 =	sadd.s32 s3, s2  }
0x8d: {  	s2 =	sadd.s32 s2, s16  }
0x8e: {  	[smem:$0x3FC3] =	sst s2  }
0x8f: {  	_ = 	snop  }
0x90: {  	(tm) =	ssettm $0x1  }
0x91: {  	s17 =	sld [smem:$0x3FFB];
	_ =	sdelay $0x3  }
0x92: {  	_ =	strace s17  }
0x93: {  	s2 =	sld [smem:$0x3FFC];
	_ =	sdelay $0x3  }
0x94: {  	_ =	strace s2  }
0x95: {  	s2 =	sld [smem:$0x3FFD];
	_ =	sdelay $0x3  }
0x96: {  	_ =	strace s2  }
0x97: {  	_ =	strace $0x8FFFFFFF  }
0x98: {  	s18 =	sld [smem:$0x3FDB];
	_ =	sdelay $0x1  }
0x99: {  	s19 =	simm.s32 $_scs_section_size  }
0x9a: {  	s4 =	simm.s32 $_size__tile_overlayer_lowered;
	s5 =	simm.s32 $_tile_overlayer_lowered  }
0x9b: {  	s22 =	simm.s32 $0x1BFF;
	s21 =	sshll.u32 s5, $0x1;
	s2 =	sadd.s32 s19, s18  }
0x9c: {  	s6 =	simm.s32 $0x0;
	s20 =	sshll.u32 s4, $0x1;
	s4 =	sadd.s32 s21, s2  }
0x9d: {  	[timem:s6], [sflag:s22] =	dma.local [hbm:s4], s20  }
0x9e: {  	_ =	swait.ge [sflag:s22], s20  }
0x9f: {  	s3 =	ssub.s32 $0x0, s20;
	[sflag:s22] =	ssyncset.done $0x0  }
0xa0: {  	[sflag:s22] =	ssyncadd.s32 s3;
	_ =	sdelay $0x1  }
0xa1: {  	s23 =	simm.s32 $0x1B8B  }
0xa2: {  	_ =	swait.ge [sflag:s23], $0x1  }
0xa3: {  	[sflag:s23] =	ssyncset.done $0x0  }
0xa4: {  	s25 =	simm.s32 $0x1B8E;
	s24 =	sld [smem:$0x3FFE];
	[sflag:s23] =	ssyncadd.s32 $0xFFFFFFFF  }
0xa5: {  	s26 =	simm.s32 $execute0_lowered;
	[smem:$0x3FD2] =	sst s25  }
0xa6: {  	s4 =	sshll.u32 s26, $0x1;
	_ =	strace $0x80000049;
	[dreg:$0x1] =	wrdreg $0xFFFFFFFF  }
0xa7: {  	s28 =	simm.s32 $_size_execute0_lowered;
	s2 =	sadd.s32 s2, s4;
	[dreg:$0x0] =	wrdreg $0x0  }
0xa8: {  	s4 =	sshll.u32 s28, $0x1;
	[dreg:$0x2] =	wrdreg s2  }
0xa9: {  	[dreg:$0x3] =	wrdreg s4  }
0xaa: {  	[dreg:$0x4] =	wrdreg $0xC0  }
0xab: {  	_ =	task [dreg:s6], $0x5FFFF  }
0xac: {  	[dreg:$0x1] =	wrdreg $0xFFFFFFFF  }
0xad: {  	[dreg:$0x0] =	wrdreg $0x60  }
0xae: {  	[dreg:$0x2] =	wrdreg s24  }
0xaf: {  	[dreg:$0x3] =	wrdreg $0x1A9000  }
0xb0: {  	[dreg:$0x4] =	wrdreg $0x9  }
0xb1: {  	_ =	task.clear_ibuf [dreg:s6], $0x5FFFF;
	_ =	strace $0x90000049  }
0xb2: {  	s29 =	simm.s32 $0x9;
	_ =	strace $0x8000004B  }
0xb3: {  	_ =	swait.ge [sflag:s29], $0x1  }
0xb4: {  	[sflag:s29] =	ssyncadd.s32 $0xFFFFFFFF  }
0xb5: {  	_ =	strace $0x9000004B  }
0xb6: {  	_ =	sfence  }
0xb7: {  	s30 =	sld [smem:$0x0];
	_ =	sdelay $0x2  }
0xb8: {  	s31 =	sshll.u32 s1, $0xD;
	s1 =	sshrl.u32 s1, $0x2  }
0xb9: {  	s3 =	sand.u32 $0x4000, s31;
	s1 =	sadd.s32 s1, s30  }
0xba: {  	s0 =	sor.u32 s3, s0;
	s1 =	sshll.u32 s1, $0x11  }
0xbb: {  	s0 =	sor.u32 s1, s0  }
0xbc: {  	s0 =	sadd.s32 $0x8F2B, s0  }
0xbd: {  	[sflag:s0] =	ssyncadd.remote.s32 $0x1  }
0xbe: {  	_ =	sfence.sel $0xFFFF  }
0xbf: {  	[dreg:$0x0] =	wrdreg $0xFFFFFFFF;
	(pc) =	sbr.abs _section_cstart, $3  }
0xc0: {  	[dreg:$0x1] =	wrdreg $0xFFFFFFFF  }
0xc1: {  	_ =	task.clear_ibuf [dreg:s6], $0x2FFFF;
	_ =	strace $0x9FFFFFFF  }
0xc2: {  	(tm) =	ssettm $0x7FFFFFFF  }
0xc3: {  	_ =	shalt  }
tec
execute0_lowered:
.L_overlay_start_1:
0x0: {  	(tag) =	ssettag $0x1  }
0x1: {  	s1 =	srdreg.scid;
	s5 =	rddreg [dreg:$0x0]  }
0x2: {  	s0 =	stileid.u32;
	s2 =	rddreg [dreg:$0x1];
	s3 =	simm.s32 $0x0  }
0x3: {  	s13 =	simm.s32 $0x80;
	s14 =	simm.s32 $0x0;
	s8 =	smul.u32 $0x5000, s0  }
0x4: {  	s4 =	sand.u32 $0x1, s1;
	s29 =	sshll.u32 s0, $0x1;
	s9 =	smul.u32 $0xA00, s0  }
0x5: {  	[smem:$0x7FF] =	sst s3;
	s1 =	sor.u32 s4, s29;
	s10 =	smul.u32 $0xA000, s4  }
0x6: {  	s31 =	sshll.u32 s0, $0x6;
	s4 =	ssub.s32 $0x2, s4;
	s6 =	smul.u32 $0x3200, s1  }
0x7: {  	s7 =	smul.u32 $0x190, s1;
	s1 =	rddreg [dreg:$0x2];
	_ =	strace $0x8000004A  }
0x8: {  	s11 =	sshrl.u32 s8, $0x3;
	s30 =	sshrl.u32 s4, $0x1;
	s12 =	sadd.s32 s8, s2  }
0x9: {  	s11 =	sadd.s32 s11, s5;
	s9 =	sadd.s32 s9, s10;
	s10 =	ssub.s32 s4, s30  }
0xa: {  	s12 =	sshrl.u32 s12, $0x3;
	s6 =	sadd.s32 s6, s5;
	s7 =	sadd.s32 s7, s5  }
0xb: {  	v0 =	vlaneseq.u32;
	s9 =	sadd.s32 s9, s5;
	s8 =	smax.u32 s10, $0x1;
	s10 =	simm.s32 $0x1  }
0xc: {  	v1 =	vand.u32 $0x3, v0;
	s4 =	sadd.s32 $0x68200, s7;
	s5 =	sadd.s32 $0x1000, s6;
	s6 =	sadd.s32 $0x6B400, s11  }
0xd: {  	v1 =	vmul.u32 $0x320, v1;
	s7 =	sadd.s32 $0x75400, s9;
	s9 =	simm.s32 $0x19000;
	s11 =	sor.u32 $0x1C01, s31  }
.LBB2_1:
0xe: {  	[tilespmem:s9], [sflag:$0x1] =	stream.linear.gather [hbm4b:s4+s3], $0xC80, $0x38;
	[tilespmem:$0x1F900] =	vst v63  }
0xf: {  	v2 =	vor.u32 s3, v0;
	_ =	swait.ge [sflag:s10], $0xC80  }
0x10: {  	v2 =	vshrl.u32 v2, $0x2;
	[sflag:s10] =	ssyncset.done $0x0  }
0x11: {  	v2 =	vadd.s32 v1, v2;
	[sflag:s10] =	ssyncadd.s32 $0xFFFFF380  }
0x12: {  	[tilespmem:s3], [sflag:$0x1] =	stream.linear.gather [hbm4b:s5+s3], $0x19000, $0x38;
	[tilespmem:$0x1F900] =	vst v63  }
0x13: {  	_ =	swait.ge [sflag:s10], $0x19000  }
0x14: {  	[sflag:s10] =	ssyncset.done $0x0  }
0x15: {  	[sflag:s10] =	ssyncadd.s32 $0xFFFE7000  }
0x16: {  	v2 =	vld.idx.msk [tilespmem:v2+s9+$0x0], $0xffff;
	_ =	sdelay $0x1  }
0x17: {  	s16 =	simm.s32 $0x40;
	s15 =	simm.s32 $0x10  }
0x18: {  	s19 =	simm.s32 $0x80;
	s18 =	simm.s32 $0x0;
	s17 =	simm.s32 $0x0;
	v3 =	vor.u32 s15, v0  }
.LBB2_2:
0x19: {  	p0 =	sne.s32 s19, $0x31C0;
	v3 =	vshrl.u32 v3, $0x2  }
0x1a: {  	v4 =	vshll.u32 v2, $0x2;
	v3 =	vadd.s32 v1, v3  }
0x1b: {  	v5 =	vand.u32 $0xFFFFF800, v2;
	v2 =	vshrl.u32 v2, $0x9;
	s20 =	sand.u32 $0x3E00, s18;
	s18 =	smov.u32 s16;
	s16 =	smov.u32 s19;
	v4 =	vand.u32 $0x7FC, v4  }
0x1c: {  	s21 =	sand.u32 $0x70, s17;
	s17 =	smov.u32 s15;
	v2 =	vand.u32 $0x3, v2;
	s20 =	sshrl.u32 s20, $0x2;
	v4 =	vor.u32 v5, v4  }
0x1d: {  	s20 =	sor.u32 s21, s20;
	v2 =	vor.u32 v2, v4  }
0x1e: {  	[tilespmem:s20+$0x19C80] =	vst v2  }
.Ltmp0:
0x1f: {  	v2 =	vld.idx.msk [tilespmem:v3+s9+$0x0], $0xffff;
	(pc) =	sbr.rel @p0 .LBB2_2-.Ltmp0, $3  }
0x20: {  	_ =	sdelay $0x1  }
0x21: {  	s15 =	sadd.s32 $0x10, s15  }
0x22: {  	s19 =	sadd.s32 $0x40, s19;
	v3 =	vor.u32 s15, v0  }
0x23: {  	v3 =	vshrl.u32 v3, $0x2  }
0x24: {  	v4 =	vshll.u32 v2, $0x2;
	v3 =	vadd.s32 v1, v3  }
0x25: {  	v5 =	vand.u32 $0xFFFFF800, v2;
	v2 =	vshrl.u32 v2, $0x9;
	s18 =	sand.u32 $0x3E00, s18;
	v4 =	vand.u32 $0x7FC, v4  }
0x26: {  	s17 =	sand.u32 $0x70, s17;
	v2 =	vand.u32 $0x3, v2;
	s18 =	sshrl.u32 s18, $0x2;
	v4 =	vor.u32 v5, v4  }
0x27: {  	s17 =	sor.u32 s17, s18;
	v2 =	vor.u32 v2, v4  }
0x28: {  	[tilespmem:s17+$0x19C80] =	vst v2  }
0x29: {  	v2 =	vld.idx.msk [tilespmem:v3+s9+$0x0], $0xffff;
	_ =	sdelay $0x4  }
0x2a: {  	v3 =	vshll.u32 v2, $0x2  }
0x2b: {  	s16 =	sand.u32 $0x3E00, s16;
	v63 =	vand.u32 $0xFFFFF800, v2;
	v2 =	vshrl.u32 v2, $0x9;
	v3 =	vand.u32 $0x7FC, v3  }
0x2c: {  	s15 =	sand.u32 $0x70, s15;
	s16 =	sshrl.u32 s16, $0x2;
	v2 =	vand.u32 $0x3, v2;
	v3 =	vor.u32 v63, v3  }
0x2d: {  	s15 =	sor.u32 s15, s16;
	v2 =	vor.u32 v2, v3  }
0x2e: {  	[tilespmem:s15+$0x19C80] =	vst v2  }
0x2f: {  	[spmem:s12], [sflag:s11] =	dma.local [hbm:s6], $0xA00  }
0x30: {  	_ =	swait.ge [sflag:s10], $0xA00  }
0x31: {  	[sflag:s10] =	ssyncset.done $0x0  }
0x32: {  	[sflag:s10] =	ssyncadd.s32 $0xFFFFF600  }
0x33: {  	s31 =	simm.s32 $0x19C80;
	s15 =	simm.s32 $0x0;
	[bflag:$0x0] =	sbarrier.arrive $0xFFFF  }
0x34: {  	[spmem:s2] =	stream.indirect.scatter.add.f32 [tilespmem:s15], [sflag:$0x1], $0x20, s31, s13, $0xb8;
	[tilespmem:$0x1F900] =	vst v63  }
0x35: {  	s16 =	simm.s32 $0x200;
	_ =	swait.ge [sflag:s10], $0x1000  }
.LBB2_4:
0x36: {  	s17 =	sshra.s32 s16, $0x2  }
0x37: {  	[sflag:s10] =	ssyncset.done $0x0;
	s15 =	sadd.s32 $0x1000, s15;
	p0 =	sne.s32 s16, $0x3000  }
.Ltmp1:
0x38: {  	s17 =	sadd.s32 $0x19C80, s17;
	[sflag:s10] =	ssyncadd.s32 $0xFFFFF000;
	(pc) =	sbr.rel @p0 .LBB2_4-.Ltmp1, $3  }
0x39: {  	[spmem:s2] =	stream.indirect.scatter.add.f32 [tilespmem:s15], [sflag:$0x1], $0x20, s17, s13, $0xb8;
	[tilespmem:$0x1F900] =	vst v63  }
0x3a: {  	s16 =	sadd.s32 $0x200, s16;
	_ =	sdelay $0x1  }
0x3b: {  	_ =	swait.ge [sflag:s10], $0x1000  }
0x3c: {  	[sflag:s10] =	ssyncset.done $0x0;
	s14 =	sadd.s32 $0x1, s14  }
0x3d: {  	[sflag:s10] =	ssyncadd.s32 $0xFFFFF000;
	p0 =	sne.s32 s14, s8  }
.Ltmp2:
0x3e: {  	[bflag:$0x0] =	sbarrier.arrive $0xFFFF;
	(pc) =	sbr.rel @p0 .LBB2_1-.Ltmp2, $4  }
0x3f: {  	[hbm:s7], [sflag:s11] =	dma.local [spmem:s12], $0xA00  }
0x40: {  	_ =	swait.ge [sflag:s10], $0xA00  }
0x41: {  	[sflag:s10] =	ssyncset.done $0x0  }
0x42: {  	[sflag:s10] =	ssyncadd.s32 $0xFFFFF600  }
0x43: {  	_ =	sfence.sel $0x180000  }
0x44: {  	[bflag:$0x0] =	sbarrier.arrive $0xFFFF  }
0x45: {  	p0 =	sne.s32 s0, $0x0;
	_ =	strace $0x9000004A  }
0x46: {  	s0 =	sadd.s32 @!p0 $0x100000, s1;
	[bflag:$0x2] =	sbarrier.arrive $0xFFFF  }
0x47: {  	[sflag:s0] =	ssyncadd.tile.s32 @!p0 $0x1;
	_ =	shalt  }
.Lfunc_end2:
_tile_overlayer_lowered:
.L_overlay_start_2:
0x48: {  	(tag) =	ssettag $0x2  }
0x49: {  	s0 =	rddreg [dreg:$0x0];
	s2 =	stileid.u32  }
0x4a: {  	s1 =	rddreg [dreg:$0x1];
	p0 =	sne.s32 s2, $0x0  }
0x4b: {  	s3 =	rddreg [dreg:$0x2];
	[bflag:$0x3] =	sbarrier.arrive $0xFFFF;
	s2 =	simm.s32 @!p0 $0x1C01  }
0x4c: {  	[timem:s3], [sflag:s2] =	dma.local @!p0 [hbm:s0], s1  }
0x4d: {  	s0 =	simm.s32 @!p0 $0x1  }
0x4e: {  	_ =	swait.ge @!p0 [sflag:s0], s1  }
0x4f: {  	s1 =	ssub.s32 @!p0 $0x0, s1;
	[sflag:s0] =	ssyncset.done @!p0 $0x0  }
0x50: {  	[sflag:s0] =	ssyncadd.s32 @!p0 s1  }
0x51: {  	[bflag:$0x3] =	sbarrier.arrive $0xFFFF  }
0x52: {  	_ =	shalt  }

// kernel: kernel.7.cloned.1.call-start
scs
__scs_entry_jumppad:
0x0: {  	(pc) =	sbr.rel $0x88, $3  }
0x1: {  	(tag) =	ssettag $0x0;
	lr =	simm.s32 $0x1  }
0x2: {  	[smem:$0x3F9C] =	sst lr;
	_ =	strace $0xD0000000  }
0x3: {  	_ = 	snop  }
0x4: {  	_ = 	snop  }
0x5: {  	_ = 	snop  }
0x6: {  	_ = 	snop  }
0x7: {  	_ = 	snop  }
__scs_overlays_trampoline_lowered:
0x8: {  	[smem:$0x3FAB] =	sst s0  }
0x9: {  	[smem:$0x3FAC] =	sst s1  }
0xa: {  	[smem:$0x3FAD] =	sst s2  }
0xb: {  	[smem:$0x3FAE] =	sst s3  }
0xc: {  	[smem:$0x3FAF] =	sst s4  }
0xd: {  	[smem:$0x3FB0] =	sst s5  }
0xe: {  	[smem:$0x3FB1] =	sst s6  }
0xf: {  	[smem:$0x3FB2] =	sst s7  }
0x10: {  	[smem:$0x3FB3] =	sst s8  }
0x11: {  	[smem:$0x3FB4] =	sst s9;
	s0 =	simm.s32 @!p0 $0x0  }
0x12: {  	s1 =	sld [smem:$0x3F9A];
	s0 =	simm.s32 @p0 $0x1  }
0x13: {  	[smem:$0x3FB5] =	sst s0;
	s0 =	simm.s32 @!p1 $0x0  }
0x14: {  	s2 =	sld [smem:$0x3F99];
	s0 =	simm.s32 @p1 $0x1  }
0x15: {  	[smem:$0x3FB6] =	sst s0;
	s0 =	simm.s32 @!p2 $0x0  }
0x16: {  	s3 =	sld [smem:$0x3FDB];
	s0 =	simm.s32 @p2 $0x1  }
0x17: {  	s4 =	simm.s32 $0x1BF5;
	[smem:$0x3FB8] =	sst s0  }
0x18: {  	s0 =	sld [smem:$0x3F9B];
	_ =	swait.ge [sflag:s4], $0x0  }
0x19: {  	s7 =	sld [smem:$0x3F9C]  }
0x1a: {  	s8 =	sadd.s32 $0xFFFFE003, lr  }
0x1b: {  	s9 =	sadd.s32 $0xFFFFFEF7, lr;
	s5 =	simm.s32 $0xFFFFFFFF;
	p2 =	slt.u32 s8, $0xFFFFF086  }
0x1c: {  	p1 =	slt.u32 s9, $0xF7A;
	s5 =	simm.s32 @!p2 $0x0  }
0x1d: {  	s5 =	simm.s32 @p1 $0x1;
	p0 =	seq.s32 s7, s2  }
0x1e: {  	s7 =	smul.u32 @!p0 $0xF7A, s2;
	p2 =	seq.s32 @!p0 s5, $0x0  }
0x1f: {  	s9 =	smul.u32 $0xF7A, s1;
	s8 =	simm.s32 @!p0 $0x1BF5;
	p2 =	por !p2, p0  }
0x20: {  	[sflag:s8] =	ssyncset.s32 @!p0 $0xFFFFF086;
	s6 =	sadd.s32 @!p0 s3, s7;
	s7 =	simm.s32 @!p0 $0x108  }
0x21: {  	s3 =	sadd.s32 s3, s9;
	s6 =	sadd.s32 @!p0 $0x88, s6;
	s7 =	simm.s32 @p2 $0x1082  }
0x22: {  	[simem:s7], [sflag:s8] =	dma.local @!p0 [hbm:s6], $0xF7A  }
0x23: {  	s9 =	sor.u32 $0xD0000000, s2;
	s6 =	simm.s32 $0x108;
	_ =	swait.ge @!p0 [sflag:s8], $0x0  }
0x24: {  	s3 =	sadd.s32 $0x88, s3;
	s6 =	simm.s32 @!p1 $0x1082;
	[sflag:s4] =	ssyncset.s32 $0xFFFFF086  }
0x25: {  	[simem:s6], [sflag:s4] =	dma.local [hbm:s3], $0xF7A  }
0x26: {  	[smem:$0x3F9C] =	sst s1;
	(tag) =	ssettag s2;
	_ =	strace s9  }
0x27: {  	s1 =	sld [smem:$0x3FAC]  }
0x28: {  	s2 =	sld [smem:$0x3FAD]  }
0x29: {  	s4 =	sld [smem:$0x3FAF]  }
0x2a: {  	p0 =	seq.s32 s5, $0x0;
	s5 =	sld [smem:$0x3FB0]  }
0x2b: {  	s6 =	sld [smem:$0x3FB1]  }
0x2c: {  	s7 =	sld [smem:$0x3FB2]  }
0x2d: {  	s3 =	simm.s32 $0x108;
	s8 =	sld [smem:$0x3FB3]  }
0x2e: {  	s3 =	simm.s32 @!p0 $0x1082;
	s9 =	sld [smem:$0x3FB4]  }
0x2f: {  	lr =	sadd.s32 s0, s3;
	s0 =	sld [smem:$0x3FAB]  }
0x30: {  	s3 =	sld [smem:$0x3FAE]  }
0x31: {  	[smem:$0x3FB7] =	sst s10  }
0x32: {  	s10 =	sld [smem:$0x3FB5];
	_ =	sdelay $0x3  }
0x33: {  	p0 =	seq.s32 s10, $0x1;
	s10 =	sld [smem:$0x3FB7];
	_ =	sdelay $0x3  }
0x34: {  	[smem:$0x3FB7] =	sst s10  }
0x35: {  	s10 =	sld [smem:$0x3FB6];
	_ =	sdelay $0x3  }
0x36: {  	p1 =	seq.s32 s10, $0x1;
	s10 =	sld [smem:$0x3FB7];
	_ =	sdelay $0x3  }
0x37: {  	[smem:$0x3FB7] =	sst s10  }
0x38: {  	s10 =	sld [smem:$0x3FB8]  }
0x39: {  	_ = 	snop;
	(pc) =	sbr.ind lr, $3  }
0x3a: {  	_ = 	snop  }
0x3b: {  	_ = 	snop  }
0x3c: {  	p2 =	seq.s32 s10, $0x1;
	s10 =	sld [smem:$0x3FB7]  }
0x3d: {  	_ =	shalt  }
0x3e: {  	_ =	shalt  }
0x3f: {  	_ =	shalt  }
0x40: {  	_ =	shalt  }
0x41: {  	_ =	shalt  }
0x42: {  	_ =	shalt  }
0x43: {  	_ =	shalt  }
0x44: {  	_ =	shalt  }
0x45: {  	_ =	shalt  }
0x46: {  	_ =	shalt  }
0x47: {  	_ =	shalt  }
0x48: {  	_ =	shalt  }
0x49: {  	_ =	shalt  }
0x4a: {  	_ =	shalt  }
0x4b: {  	_ =	shalt  }
0x4c: {  	_ =	shalt  }
0x4d: {  	_ =	shalt  }
0x4e: {  	_ =	shalt  }
0x4f: {  	_ =	shalt  }
0x50: {  	_ =	shalt  }
0x51: {  	_ =	shalt  }
0x52: {  	_ =	shalt  }
0x53: {  	_ =	shalt  }
0x54: {  	_ =	shalt  }
0x55: {  	_ =	shalt  }
0x56: {  	_ =	shalt  }
0x57: {  	_ =	shalt  }
0x58: {  	_ =	shalt  }
0x59: {  	_ =	shalt  }
0x5a: {  	_ =	shalt  }
0x5b: {  	_ =	shalt  }
0x5c: {  	_ =	shalt  }
0x5d: {  	_ =	shalt  }
0x5e: {  	_ =	shalt  }
0x5f: {  	_ =	shalt  }
0x60: {  	_ =	shalt  }
0x61: {  	_ =	shalt  }
0x62: {  	_ =	shalt  }
0x63: {  	_ =	shalt  }
0x64: {  	_ =	shalt  }
0x65: {  	_ =	shalt  }
0x66: {  	_ =	shalt  }
0x67: {  	_ =	shalt  }
0x68: {  	_ =	shalt  }
0x69: {  	_ =	shalt  }
0x6a: {  	_ =	shalt  }
0x6b: {  	_ =	shalt  }
0x6c: {  	_ =	shalt  }
0x6d: {  	_ =	shalt  }
0x6e: {  	_ =	shalt  }
0x6f: {  	_ =	shalt  }
0x70: {  	_ =	shalt  }
0x71: {  	_ =	shalt  }
0x72: {  	_ =	shalt  }
0x73: {  	_ =	shalt  }
0x74: {  	_ =	shalt  }
0x75: {  	_ =	shalt  }
0x76: {  	_ =	shalt  }
0x77: {  	_ =	shalt  }
0x78: {  	_ =	shalt  }
0x79: {  	_ =	shalt  }
0x7a: {  	_ =	shalt  }
0x7b: {  	_ =	shalt  }
0x7c: {  	_ =	shalt  }
0x7d: {  	_ =	shalt  }
0x7e: {  	_ =	shalt  }
0x7f: {  	_ =	shalt  }
0x80: {  	_ =	shalt  }
0x81: {  	_ =	shalt  }
0x82: {  	_ =	shalt  }
0x83: {  	_ =	shalt  }
0x84: {  	_ =	shalt  }
0x85: {  	_ =	shalt  }
0x86: {  	_ =	shalt  }
0x87: {  	_ =	shalt  }
.Lfunc_end0:
.L_simem_size_0:
called_computation_lowered:
.L_overlay_start_0:
0x88: {  	s2 =	sld [smem:$0x3FD9]  }
0x89: {  	s3 =	sld [smem:$0x3FFE];
	_ =	sdelay $0x1  }
0x8a: {  	s1 =	srdreg.scid  }
0x8b: {  	s0 =	sand.u32 $0x1, s1  }
0x8c: {  	s17 =	sshll.u32 s0, $0xA;
	s2 =	sadd.s32 s3, s2  }
0x8d: {  	s2 =	sadd.s32 s2, s17  }
0x8e: {  	[smem:$0x3FC3] =	sst s2  }
0x8f: {  	_ = 	snop  }
0x90: {  	s2 =	sld [smem:$0x3FD0];
	(tm) =	ssettm $0x1  }
0x91: {  	s18 =	sld [smem:$0x3FFB];
	_ =	sdelay $0x3  }
0x92: {  	_ =	strace s18  }
0x93: {  	s3 =	sld [smem:$0x3FFC];
	_ =	sdelay $0x3  }
0x94: {  	_ =	strace s3  }
0x95: {  	s3 =	sld [smem:$0x3FFD];
	_ =	sdelay $0x3  }
0x96: {  	_ =	strace s3  }
0x97: {  	_ =	strace $0x8FFFFFFF  }
0x98: {  	s19 =	sld [smem:$0x3FDB];
	_ =	sdelay $0x1  }
0x99: {  	s4 =	simm.s32 $_scs_section_size  }
0x9a: {  	s5 =	simm.s32 $_size__tile_overlayer_lowered;
	s6 =	simm.s32 $_tile_overlayer_lowered  }
0x9b: {  	s22 =	simm.s32 $0x1BFF;
	s21 =	sshll.u32 s6, $0x1;
	s3 =	sadd.s32 s4, s19  }
0x9c: {  	s7 =	simm.s32 $0x0;
	s20 =	sshll.u32 s5, $0x1;
	s5 =	sadd.s32 s21, s3  }
0x9d: {  	[timem:s7], [sflag:s22] =	dma.local [hbm:s5], s20  }
0x9e: {  	_ =	swait.ge [sflag:s22], s20  }
0x9f: {  	s4 =	ssub.s32 $0x0, s20;
	[sflag:s22] =	ssyncset.done $0x0  }
0xa0: {  	[sflag:s22] =	ssyncadd.s32 s4;
	_ =	sdelay $0x1  }
0xa1: {  	s23 =	simm.s32 $0x1B8B  }
0xa2: {  	_ =	swait.ge [sflag:s23], $0x1  }
0xa3: {  	[sflag:s23] =	ssyncset.done $0x0  }
0xa4: {  	s25 =	simm.s32 $0x1B8E;
	s24 =	sld [smem:$0x3FFE];
	[sflag:s23] =	ssyncadd.s32 $0xFFFFFFFF  }
0xa5: {  	s26 =	simm.s32 $execute0_lowered;
	[smem:$0x3FD2] =	sst s25  }
0xa6: {  	s5 =	sshll.u32 s26, $0x1;
	_ =	strace $0x80000046;
	[dreg:$0x1] =	wrdreg $0xFFFFFFFF  }
0xa7: {  	s28 =	simm.s32 $_size_execute0_lowered;
	s3 =	sadd.s32 s3, s5;
	[dreg:$0x0] =	wrdreg $0x0  }
0xa8: {  	s5 =	sshll.u32 s28, $0x1;
	[dreg:$0x2] =	wrdreg s3  }
0xa9: {  	[dreg:$0x3] =	wrdreg s5  }
0xaa: {  	[dreg:$0x4] =	wrdreg $0xC0  }
0xab: {  	_ =	task [dreg:s7], $0x5FFFF  }
0xac: {  	[dreg:$0x1] =	wrdreg $0xFFFFFFFF  }
0xad: {  	[dreg:$0x0] =	wrdreg $0x60  }
0xae: {  	[dreg:$0x2] =	wrdreg s2  }
0xaf: {  	[dreg:$0x3] =	wrdreg s24  }
0xb0: {  	[dreg:$0x4] =	wrdreg $0x9  }
0xb1: {  	_ =	task.clear_ibuf [dreg:s7], $0x5FFFF;
	_ =	strace $0x90000046  }
0xb2: {  	s29 =	simm.s32 $0x9;
	_ =	strace $0x80000048  }
0xb3: {  	_ =	swait.ge [sflag:s29], $0x1  }
0xb4: {  	[sflag:s29] =	ssyncadd.s32 $0xFFFFFFFF  }
0xb5: {  	_ =	strace $0x90000048  }
0xb6: {  	_ =	sfence  }
0xb7: {  	s30 =	sld [smem:$0x0];
	_ =	sdelay $0x2  }
0xb8: {  	s31 =	sshll.u32 s1, $0xD;
	s1 =	sshrl.u32 s1, $0x2  }
0xb9: {  	s3 =	sand.u32 $0x4000, s31;
	s1 =	sadd.s32 s1, s30  }
0xba: {  	s0 =	sor.u32 s3, s0;
	s1 =	sshll.u32 s1, $0x11  }
0xbb: {  	s0 =	sor.u32 s1, s0  }
0xbc: {  	s0 =	sadd.s32 $0x8F2B, s0  }
0xbd: {  	[sflag:s0] =	ssyncadd.remote.s32 $0x1  }
0xbe: {  	_ =	sfence.sel $0xFFFF  }
0xbf: {  	[dreg:$0x0] =	wrdreg $0xFFFFFFFF;
	(pc) =	sbr.abs _section_cstart, $3  }
0xc0: {  	[dreg:$0x1] =	wrdreg $0xFFFFFFFF  }
0xc1: {  	_ =	task.clear_ibuf [dreg:s7], $0x2FFFF;
	_ =	strace $0x9FFFFFFF  }
0xc2: {  	(tm) =	ssettm $0x7FFFFFFF  }
0xc3: {  	_ =	shalt  }
tec
execute0_lowered:
.L_overlay_start_1:
0x0: {  	(tag) =	ssettag $0x1  }
0x1: {  	s2 =	rddreg [dreg:$0x0]  }
0x2: {  	s0 =	rddreg [dreg:$0x1]  }
0x3: {  	s1 =	srdreg.scid;
	s4 =	stileid.u32  }
0x4: {  	s3 =	simm.s32 $0x0;
	s11 =	simm.s32 $0x7;
	s12 =	simm.s32 $0x80  }
0x5: {  	s14 =	simm.s32 $0x1900;
	s24 =	simm.s32 $0x6900;
	s15 =	simm.s32 $0xB900  }
0x6: {  	s18 =	simm.s32 $0x15900;
	s28 =	simm.s32 $0x1880;
	s29 =	simm.s32 $0x19900  }
0x7: {  	s30 =	simm.s32 $0x1;
	s1 =	sand.u32 $0x1, s1;
	s4 =	sshll.u32 s4, $0x1  }
0x8: {  	s31 =	simm.s32 $0x2;
	s13 =	simm.s32 $0x5;
	s4 =	sor.u32 s1, s4  }
0x9: {  	s16 =	simm.s32 $0x6;
	s17 =	simm.s32 $0x0;
	s5 =	smul.u32 $0x19000, s4  }
0xa: {  	[smem:$0x7FF] =	sst s3;
	s1 =	ssub.s32 $0x2, s1;
	s6 =	smul.u32 $0x190, s4  }
0xb: {  	s7 =	sadd.s32 $0x4200, s0;
	s8 =	sshrl.u32 s1, $0x1;
	s9 =	smul.u32 $0x3200, s4  }
0xc: {  	_ =	strace $0x80000047;
	s1 =	ssub.s32 s1, s8;
	s26 =	sshrl.u32 s5, $0x3  }
0xd: {  	s0 =	sadd.s32 s6, s0;
	s5 =	sadd.s32 s7, s9;
	s10 =	sadd.s32 s7, s26  }
0xe: {  	v0 =	vlaneseq.u32;
	s4 =	sadd.s32 $0x1000, s0;
	s26 =	simm.s32 $0x10900;
	s0 =	simm.s32 $0x3  }
0xf: {  	v1 =	vand.u32 $0x3, v0;
	s6 =	sadd.s32 $0xA00, s10;
	s7 =	sadd.s32 $0x1400, s10;
	s8 =	sadd.s32 $0x1E00, s10  }
0x10: {  	v1 =	vmul.u32 $0x320, v1;
	s9 =	sadd.s32 $0x2800, s10;
	s10 =	smax.u32 s1, $0x1;
	s1 =	simm.s32 $0x4  }
.LBB2_1:
0x11: {  	v2 =	vor.u32 s3, v0  }
0x12: {  	v2 =	vshrl.u32 v2, $0x2  }
0x13: {  	v2 =	vadd.s32 v1, v2  }
0x14: {  	[tilespmem:s3], [sflag:$0x7] =	stream.linear.gather [hbm4b:s4+s3], $0xC80, $0x38;
	[tilespmem:$0x1A900] =	vst v63  }
0x15: {  	_ =	swait.ge [sflag:s11], $0xC80  }
0x16: {  	[sflag:s11] =	ssyncset.done $0x0  }
0x17: {  	s20 =	simm.s32 $0x40;
	s19 =	simm.s32 $0x10;
	[sflag:s11] =	ssyncadd.s32 $0xFFFFF380  }
0x18: {  	s22 =	simm.s32 $0x80;
	s21 =	simm.s32 $0x0;
	s23 =	simm.s32 $0x0;
	v3 =	vor.u32 s19, v0;
	v2 =	vld.idx.msk [tilespmem:v2+s3+$0x0], $0xffff  }
.LBB2_2:
0x19: {  	p0 =	sne.s32 s22, $0x31C0;
	v3 =	vshrl.u32 v3, $0x2  }
0x1a: {  	v4 =	vadd.s32 v1, v3  }
.Ltmp0:
0x1b: {  	s25 =	sand.u32 $0x3E00, s21;
	s21 =	smov.u32 s20;
	(pc) =	sbr.rel @p0 .LBB2_2-.Ltmp0, $4  }
0x1c: {  	s20 =	sand.u32 $0x70, s23;
	s23 =	smov.u32 s19;
	s25 =	sshrl.u32 s25, $0x2  }
0x1d: {  	s25 =	sor.u32 s20, s25;
	s20 =	smov.u32 s22  }
0x1e: {  	s19 =	sadd.s32 $0x10, s19;
	[tilespmem:s25+$0xC80] =	vst v2  }
0x1f: {  	v3 =	vor.u32 s19, v0;
	s22 =	sadd.s32 $0x40, s22;
	v2 =	vld.idx.msk [tilespmem:v4+s3+$0x0], $0xffff  }
0x20: {  	v3 =	vshrl.u32 v3, $0x2  }
0x21: {  	v3 =	vadd.s32 v1, v3  }
0x22: {  	s21 =	sand.u32 $0x3E00, s21  }
0x23: {  	s22 =	sand.u32 $0x70, s23;
	s21 =	sshrl.u32 s21, $0x2  }
0x24: {  	s21 =	sor.u32 s22, s21  }
0x25: {  	[tilespmem:s21+$0xC80] =	vst v2  }
0x26: {  	v2 =	vld.idx.msk [tilespmem:v3+s3+$0x0], $0xffff;
	_ =	sdelay $0x1  }
0x27: {  	s20 =	sand.u32 $0x3E00, s20  }
0x28: {  	s19 =	sand.u32 $0x70, s19;
	s20 =	sshrl.u32 s20, $0x2  }
0x29: {  	s19 =	sor.u32 s19, s20  }
0x2a: {  	s22 =	simm.s32 $0xC80;
	[tilespmem:s19+$0xC80] =	vst v2  }
0x2b: {  	[tilespmem:s14], [sflag:$0x1] =	stream.indirect.gather [hbm4b:s2+s12], $0x20, s22, s12, $0xb8;
	[tilespmem:$0x1A900] =	vst v63  }
0x2c: {  	s23 =	simm.s32 $0xD00;
	s25 =	simm.s32 $0x2900  }
0x2d: {  	[tilespmem:s25], [sflag:$0x1] =	stream.indirect.gather [hbm4b:s2+s12], $0x20, s23, s12, $0xb8;
	[tilespmem:$0x1A900] =	vst v63  }
0x2e: {  	s21 =	simm.s32 $0xD80;
	s22 =	simm.s32 $0x3900  }
0x2f: {  	[tilespmem:s22], [sflag:$0x1] =	stream.indirect.gather [hbm4b:s2+s12], $0x20, s21, s12, $0xb8;
	[tilespmem:$0x1A900] =	vst v63  }
0x30: {  	s23 =	simm.s32 $0xE00;
	s25 =	simm.s32 $0x4900  }
0x31: {  	[tilespmem:s25], [sflag:$0x1] =	stream.indirect.gather [hbm4b:s2+s12], $0x20, s23, s12, $0xb8;
	[tilespmem:$0x1A900] =	vst v63  }
0x32: {  	s20 =	simm.s32 $0xE80;
	s21 =	simm.s32 $0x5900  }
0x33: {  	[tilespmem:s21], [sflag:$0x1] =	stream.indirect.gather [hbm4b:s2+s12], $0x20, s20, s12, $0xb8;
	[tilespmem:$0x1A900] =	vst v63  }
0x34: {  	s22 =	simm.s32 $0xF00  }
0x35: {  	[tilespmem:s24], [sflag:$0x2] =	stream.indirect.gather [hbm4b:s2+s12], $0x20, s22, s12, $0xb8;
	[tilespmem:$0x1A900] =	vst v63  }
0x36: {  	s23 =	simm.s32 $0xF80;
	s25 =	simm.s32 $0x7900  }
0x37: {  	[tilespmem:s25], [sflag:$0x2] =	stream.indirect.gather [hbm4b:s2+s12], $0x20, s23, s12, $0xb8;
	[tilespmem:$0x1A900] =	vst v63  }
0x38: {  	s21 =	simm.s32 $0x1000;
	s22 =	simm.s32 $0x8900  }
0x39: {  	[tilespmem:s22], [sflag:$0x2] =	stream.indirect.gather [hbm4b:s2+s12], $0x20, s21, s12, $0xb8;
	[tilespmem:$0x1A900] =	vst v63  }
0x3a: {  	s23 =	simm.s32 $0x1080;
	s25 =	simm.s32 $0x9900  }
0x3b: {  	[tilespmem:s25], [sflag:$0x2] =	stream.indirect.gather [hbm4b:s2+s12], $0x20, s23, s12, $0xb8;
	[tilespmem:$0x1A900] =	vst v63  }
0x3c: {  	s20 =	simm.s32 $0x1100;
	s21 =	simm.s32 $0xA900  }
0x3d: {  	[tilespmem:s21], [sflag:$0x2] =	stream.indirect.gather [hbm4b:s2+s12], $0x20, s20, s12, $0xb8;
	[tilespmem:$0x1A900] =	vst v63  }
0x3e: {  	s22 =	simm.s32 $0x1180  }
0x3f: {  	[tilespmem:s15], [sflag:$0x3] =	stream.indirect.gather [hbm4b:s2+s12], $0x20, s22, s12, $0xb8;
	[tilespmem:$0x1A900] =	vst v63  }
0x40: {  	s23 =	simm.s32 $0x1200;
	s25 =	simm.s32 $0xC900  }
0x41: {  	[tilespmem:s25], [sflag:$0x3] =	stream.indirect.gather [hbm4b:s2+s12], $0x20, s23, s12, $0xb8;
	[tilespmem:$0x1A900] =	vst v63  }
0x42: {  	s21 =	simm.s32 $0x1280;
	s22 =	simm.s32 $0xD900  }
0x43: {  	[tilespmem:s22], [sflag:$0x3] =	stream.indirect.gather [hbm4b:s2+s12], $0x20, s21, s12, $0xb8;
	[tilespmem:$0x1A900] =	vst v63  }
0x44: {  	s23 =	simm.s32 $0x1300;
	s25 =	simm.s32 $0xE900  }
0x45: {  	[tilespmem:s25], [sflag:$0x3] =	stream.indirect.gather [hbm4b:s2+s12], $0x20, s23, s12, $0xb8;
	[tilespmem:$0x1A900] =	vst v63  }
0x46: {  	s20 =	simm.s32 $0x1380;
	s21 =	simm.s32 $0xF900  }
0x47: {  	[tilespmem:s21], [sflag:$0x3] =	stream.indirect.gather [hbm4b:s2+s12], $0x20, s20, s12, $0xb8;
	[tilespmem:$0x1A900] =	vst v63  }
0x48: {  	s22 =	simm.s32 $0x1400  }
0x49: {  	[tilespmem:s26], [sflag:$0x4] =	stream.indirect.gather [hbm4b:s2+s12], $0x20, s22, s12, $0xb8;
	[tilespmem:$0x1A900] =	vst v63  }
0x4a: {  	s23 =	simm.s32 $0x1480;
	s25 =	simm.s32 $0x11900  }
0x4b: {  	[tilespmem:s25], [sflag:$0x4] =	stream.indirect.gather [hbm4b:s2+s12], $0x20, s23, s12, $0xb8;
	[tilespmem:$0x1A900] =	vst v63  }
0x4c: {  	s21 =	simm.s32 $0x1500;
	s22 =	simm.s32 $0x12900  }
0x4d: {  	[tilespmem:s22], [sflag:$0x4] =	stream.indirect.gather [hbm4b:s2+s12], $0x20, s21, s12, $0xb8;
	[tilespmem:$0x1A900] =	vst v63  }
0x4e: {  	s23 =	simm.s32 $0x1580;
	s25 =	simm.s32 $0x13900  }
0x4f: {  	[tilespmem:s25], [sflag:$0x4] =	stream.indirect.gather [hbm4b:s2+s12], $0x20, s23, s12, $0xb8;
	[tilespmem:$0x1A900] =	vst v63  }
0x50: {  	s20 =	simm.s32 $0x1600;
	s21 =	simm.s32 $0x14900  }
0x51: {  	[tilespmem:s21], [sflag:$0x4] =	stream.indirect.gather [hbm4b:s2+s12], $0x20, s20, s12, $0xb8;
	[tilespmem:$0x1A900] =	vst v63  }
0x52: {  	s22 =	simm.s32 $0x1680  }
0x53: {  	[tilespmem:s18], [sflag:$0x5] =	stream.indirect.gather [hbm4b:s2+s12], $0x20, s22, s12, $0xb8;
	[tilespmem:$0x1A900] =	vst v63  }
0x54: {  	s23 =	simm.s32 $0x1700;
	s25 =	simm.s32 $0x16900  }
0x55: {  	[tilespmem:s25], [sflag:$0x5] =	stream.indirect.gather [hbm4b:s2+s12], $0x20, s23, s12, $0xb8;
	[tilespmem:$0x1A900] =	vst v63  }
0x56: {  	s21 =	simm.s32 $0x1780;
	s22 =	simm.s32 $0x17900  }
0x57: {  	[tilespmem:s22], [sflag:$0x5] =	stream.indirect.gather [hbm4b:s2+s12], $0x20, s21, s12, $0xb8;
	[tilespmem:$0x1A900] =	vst v63  }
0x58: {  	s23 =	simm.s32 $0x1800;
	s25 =	simm.s32 $0x18900  }
0x59: {  	[tilespmem:s25], [sflag:$0x5] =	stream.indirect.gather [hbm4b:s2+s12], $0x20, s23, s12, $0xb8;
	[tilespmem:$0x1A900] =	vst v63  }
0x5a: {  	_ = 	snop  }
0x5b: {  	[tilespmem:s29], [sflag:$0x5] =	stream.indirect.gather [hbm4b:s2+s12], $0x20, s28, s12, $0xb8;
	[tilespmem:$0x1A900] =	vst v63  }
0x5c: {  	_ =	swait.ge [sflag:s30], $0x1000  }
0x5d: {  	[sflag:s30] =	ssyncset.done $0x0  }
0x5e: {  	[sflag:s30] =	ssyncadd.s32 $0xFFFFF000  }
0x5f: {  	_ =	swait.ge [sflag:s30], $0x1000  }
0x60: {  	[sflag:s30] =	ssyncset.done $0x0  }
0x61: {  	[sflag:s30] =	ssyncadd.s32 $0xFFFFF000  }
0x62: {  	_ =	swait.ge [sflag:s30], $0x1000  }
0x63: {  	[sflag:s30] =	ssyncset.done $0x0  }
0x64: {  	[sflag:s30] =	ssyncadd.s32 $0xFFFFF000  }
0x65: {  	_ =	swait.ge [sflag:s30], $0x1000  }
0x66: {  	[sflag:s30] =	ssyncset.done $0x0  }
0x67: {  	[sflag:s30] =	ssyncadd.s32 $0xFFFFF000  }
0x68: {  	_ =	swait.ge [sflag:s30], $0x1000  }
0x69: {  	[sflag:s30] =	ssyncset.done $0x0  }
0x6a: {  	[sflag:s30] =	ssyncadd.s32 $0xFFFFF000  }
0x6b: {  	[hbm4b:s5+s3] =	stream.linear.scatter [tilespmem:s14], [sflag:$0x6], $0x5000, $0x38;
	[tilespmem:$0x1A900] =	vst v63  }
0x6c: {  	_ =	swait.ge [sflag:s31], $0x1000  }
0x6d: {  	[sflag:s31] =	ssyncset.done $0x0  }
0x6e: {  	[sflag:s31] =	ssyncadd.s32 $0xFFFFF000  }
0x6f: {  	_ =	swait.ge [sflag:s31], $0x1000  }
0x70: {  	[sflag:s31] =	ssyncset.done $0x0  }
0x71: {  	[sflag:s31] =	ssyncadd.s32 $0xFFFFF000  }
0x72: {  	_ =	swait.ge [sflag:s31], $0x1000  }
0x73: {  	[sflag:s31] =	ssyncset.done $0x0  }
0x74: {  	[sflag:s31] =	ssyncadd.s32 $0xFFFFF000  }
0x75: {  	_ =	swait.ge [sflag:s31], $0x1000  }
0x76: {  	[sflag:s31] =	ssyncset.done $0x0  }
0x77: {  	[sflag:s31] =	ssyncadd.s32 $0xFFFFF000  }
0x78: {  	_ =	swait.ge [sflag:s31], $0x1000  }
0x79: {  	[sflag:s31] =	ssyncset.done $0x0  }
0x7a: {  	[sflag:s31] =	ssyncadd.s32 $0xFFFFF000  }
0x7b: {  	[hbm4b:s6+s3] =	stream.linear.scatter [tilespmem:s24], [sflag:$0x6], $0x5000, $0x38;
	[tilespmem:$0x1A900] =	vst v63  }
0x7c: {  	_ =	swait.ge [sflag:s0], $0x1000  }
0x7d: {  	[sflag:s0] =	ssyncset.done $0x0  }
0x7e: {  	[sflag:s0] =	ssyncadd.s32 $0xFFFFF000  }
0x7f: {  	_ =	swait.ge [sflag:s0], $0x1000  }
0x80: {  	[sflag:s0] =	ssyncset.done $0x0  }
0x81: {  	[sflag:s0] =	ssyncadd.s32 $0xFFFFF000  }
0x82: {  	_ =	swait.ge [sflag:s0], $0x1000  }
0x83: {  	[sflag:s0] =	ssyncset.done $0x0  }
0x84: {  	[sflag:s0] =	ssyncadd.s32 $0xFFFFF000  }
0x85: {  	_ =	swait.ge [sflag:s0], $0x1000  }
0x86: {  	[sflag:s0] =	ssyncset.done $0x0  }
0x87: {  	[sflag:s0] =	ssyncadd.s32 $0xFFFFF000  }
0x88: {  	_ =	swait.ge [sflag:s0], $0x1000  }
0x89: {  	[sflag:s0] =	ssyncset.done $0x0  }
0x8a: {  	[sflag:s0] =	ssyncadd.s32 $0xFFFFF000  }
0x8b: {  	[hbm4b:s7+s3] =	stream.linear.scatter [tilespmem:s15], [sflag:$0x6], $0x5000, $0x38;
	[tilespmem:$0x1A900] =	vst v63  }
0x8c: {  	_ =	swait.ge [sflag:s1], $0x1000  }
0x8d: {  	[sflag:s1] =	ssyncset.done $0x0  }
0x8e: {  	[sflag:s1] =	ssyncadd.s32 $0xFFFFF000  }
0x8f: {  	_ =	swait.ge [sflag:s1], $0x1000  }
0x90: {  	[sflag:s1] =	ssyncset.done $0x0  }
0x91: {  	[sflag:s1] =	ssyncadd.s32 $0xFFFFF000  }
0x92: {  	_ =	swait.ge [sflag:s1], $0x1000  }
0x93: {  	[sflag:s1] =	ssyncset.done $0x0  }
0x94: {  	[sflag:s1] =	ssyncadd.s32 $0xFFFFF000  }
0x95: {  	_ =	swait.ge [sflag:s1], $0x1000  }
0x96: {  	[sflag:s1] =	ssyncset.done $0x0  }
0x97: {  	[sflag:s1] =	ssyncadd.s32 $0xFFFFF000  }
0x98: {  	_ =	swait.ge [sflag:s1], $0x1000  }
0x99: {  	[sflag:s1] =	ssyncset.done $0x0  }
0x9a: {  	[sflag:s1] =	ssyncadd.s32 $0xFFFFF000  }
0x9b: {  	[hbm4b:s8+s3] =	stream.linear.scatter [tilespmem:s26], [sflag:$0x6], $0x5000, $0x38;
	[tilespmem:$0x1A900] =	vst v63  }
0x9c: {  	_ =	swait.ge [sflag:s13], $0x1000  }
0x9d: {  	[sflag:s13] =	ssyncset.done $0x0  }
0x9e: {  	[sflag:s13] =	ssyncadd.s32 $0xFFFFF000  }
0x9f: {  	_ =	swait.ge [sflag:s13], $0x1000  }
0xa0: {  	[sflag:s13] =	ssyncset.done $0x0  }
0xa1: {  	[sflag:s13] =	ssyncadd.s32 $0xFFFFF000  }
0xa2: {  	_ =	swait.ge [sflag:s13], $0x1000  }
0xa3: {  	[sflag:s13] =	ssyncset.done $0x0  }
0xa4: {  	[sflag:s13] =	ssyncadd.s32 $0xFFFFF000  }
0xa5: {  	_ =	swait.ge [sflag:s13], $0x1000  }
0xa6: {  	[sflag:s13] =	ssyncset.done $0x0  }
0xa7: {  	[sflag:s13] =	ssyncadd.s32 $0xFFFFF000  }
0xa8: {  	_ =	swait.ge [sflag:s13], $0x1000  }
0xa9: {  	[sflag:s13] =	ssyncset.done $0x0  }
0xaa: {  	[sflag:s13] =	ssyncadd.s32 $0xFFFFF000  }
0xab: {  	[hbm4b:s9+s3] =	stream.linear.scatter [tilespmem:s18], [sflag:$0x6], $0x5000, $0x38;
	[tilespmem:$0x1A900] =	vst v63  }
0xac: {  	_ =	swait.ge [sflag:s16], $0x5000  }
0xad: {  	[sflag:s16] =	ssyncset.done $0x0  }
0xae: {  	[sflag:s16] =	ssyncadd.s32 $0xFFFFB000  }
0xaf: {  	_ =	swait.ge [sflag:s16], $0x5000  }
0xb0: {  	[sflag:s16] =	ssyncset.done $0x0  }
0xb1: {  	[sflag:s16] =	ssyncadd.s32 $0xFFFFB000  }
0xb2: {  	_ =	swait.ge [sflag:s16], $0x5000  }
0xb3: {  	[sflag:s16] =	ssyncset.done $0x0  }
0xb4: {  	s17 =	sadd.s32 $0x1, s17;
	[sflag:s16] =	ssyncadd.s32 $0xFFFFB000  }
0xb5: {  	p0 =	sne.s32 s17, s10;
	_ =	swait.ge [sflag:s16], $0x5000  }
.Ltmp1:
0xb6: {  	[sflag:s16] =	ssyncset.done $0x0;
	(pc) =	sbr.rel @p0 .LBB2_1-.Ltmp1, $4  }
0xb7: {  	[sflag:s16] =	ssyncadd.s32 $0xFFFFB000  }
0xb8: {  	_ =	swait.ge [sflag:s16], $0x5000  }
0xb9: {  	[sflag:s16] =	ssyncset.done $0x0  }
0xba: {  	[sflag:s16] =	ssyncadd.s32 $0xFFFFB000  }
0xbb: {  	_ =	sfence.sel $0x180000  }
0xbc: {  	[bflag:$0x0] =	sbarrier.arrive $0xFFFF  }
0xbd: {  	_ =	strace $0x90000047  }
0xbe: {  	s0 =	stileid.u32;
	[bflag:$0x2] =	sbarrier.arrive $0xFFFF  }
0xbf: {  	p0 =	sne.s32 s0, $0x0;
	s0 =	rddreg [dreg:$0x2]  }
0xc0: {  	s0 =	sadd.s32 @!p0 $0x100000, s0  }
0xc1: {  	[sflag:s0] =	ssyncadd.tile.s32 @!p0 $0x1;
	_ =	shalt  }
.Lfunc_end2:
_tile_overlayer_lowered:
.L_overlay_start_2:
0xc2: {  	(tag) =	ssettag $0x2  }
0xc3: {  	s0 =	rddreg [dreg:$0x0];
	s2 =	stileid.u32  }
0xc4: {  	s1 =	rddreg [dreg:$0x1];
	p0 =	sne.s32 s2, $0x0  }
0xc5: {  	s3 =	rddreg [dreg:$0x2];
	[bflag:$0x3] =	sbarrier.arrive $0xFFFF;
	s2 =	simm.s32 @!p0 $0x1C07  }
0xc6: {  	[timem:s3], [sflag:s2] =	dma.local @!p0 [hbm:s0], s1  }
0xc7: {  	s0 =	simm.s32 @!p0 $0x7  }
0xc8: {  	_ =	swait.ge @!p0 [sflag:s0], s1  }
0xc9: {  	s1 =	ssub.s32 @!p0 $0x0, s1;
	[sflag:s0] =	ssyncset.done @!p0 $0x0  }
0xca: {  	[sflag:s0] =	ssyncadd.s32 @!p0 s1  }
0xcb: {  	[bflag:$0x3] =	sbarrier.arrive $0xFFFF  }
0xcc: {  	_ =	shalt  }

</sc_bundles>
